<compile_context>
chip_gen: v7x
topology: tpu7x:2x2x1
jax: 0.10.2.dev20260603
libtpu: 0.0.44.dev20260713+nightly
codegen_flags: <defaults>
</compile_context>

<pallas_src>
import functools

import jax
import jax.numpy as jnp
from jax import lax
from jax.experimental import pallas as pl
from jax.experimental.pallas import tpu as pltpu
from jax.experimental.pallas import tpu_sc as plsc

N = 10000
E = 320000
H = 128
NUM_IN = 2004
G = 256
B = 32
NUM_LEMMAS = 1000

BLK1 = 2000
BLK2 = 2000


def _sig(x):
    return jax.nn.sigmoid(x)


def _k1_body(ids_ref, W_emb_ref, W_iou_ref, b_iou_ref, W_f_ref, b_f_ref,
             U_f_ref, x_ioub_ref, h1_ref, pack_ref, mxfb_ref):
    ids = ids_ref[...]
    onehot = (ids == lax.broadcasted_iota(jnp.int32, (BLK1, NUM_IN), 1))
    x_emb = onehot.astype(jnp.float32) @ W_emb_ref[...]
    x_ioub = x_emb @ W_iou_ref[...] + b_iou_ref[...]
    i1 = x_ioub[:, :H]
    o1 = x_ioub[:, H:2 * H]
    u1 = x_ioub[:, 2 * H:]
    c1 = _sig(i1) * jnp.tanh(u1)
    h1 = _sig(o1) * jnp.tanh(c1)
    x_ioub_ref[...] = x_ioub
    h1_ref[...] = h1
    pack_ref[...] = jnp.concatenate([c1, h1 @ U_f_ref[...]], axis=1)
    mxfb_ref[...] = -(x_emb @ W_f_ref[...] + b_f_ref[...])


def _run_k1(ids2d, W_emb, W_iou, b_iou, W_f, b_f, U_f):
    n_blocks = N // BLK1
    full = lambda shape: pl.BlockSpec(shape, lambda i: (0,) * len(shape))
    return pl.pallas_call(
        _k1_body,
        grid=(n_blocks,),
        in_specs=[
            pl.BlockSpec((BLK1, 1), lambda i: (i, 0)),
            full((NUM_IN, H)),
            full((H, 3 * H)),
            full((1, 3 * H)),
            full((H, H)),
            full((1, H)),
            full((H, H)),
        ],
        out_specs=[
            pl.BlockSpec((BLK1, 3 * H), lambda i: (i, 0)),
            pl.BlockSpec((BLK1, H), lambda i: (i, 0)),
            pl.BlockSpec((BLK1, 2 * H), lambda i: (i, 0)),
            pl.BlockSpec((BLK1, H), lambda i: (i, 0)),
        ],
        out_shape=[
            jax.ShapeDtypeStruct((N, 3 * H), jnp.float32),
            jax.ShapeDtypeStruct((N, H), jnp.float32),
            jax.ShapeDtypeStruct((N, 2 * H), jnp.float32),
            jax.ShapeDtypeStruct((N, H), jnp.float32),
        ],
    )(ids2d, W_emb, W_iou, b_iou, W_f, b_f, U_f)


KE = 80
TILES = 16
EPT = E // TILES
CHUNKS = EPT // KE
RPT = 624


def _edge_sc_body(gidx_hbm, sidx_hbm, h1_hbm, pack_hbm, mxfb_hbm, hsum_hbm,
                  fc_hbm, acc, gidx, sidx, prows, mrows, val, sem):
    c = lax.axis_index("c")
    s = lax.axis_index("s")
    zero16 = jnp.zeros((16,), jnp.float32)

    @pl.loop(0, KE)
    def _(r):
        for j in range(8):
            val[r, pl.ds(16 * j, 16)] = zero16

    def zero_acc():
        for j in range(7):
            pltpu.sync_copy(val, acc.at[pl.ds(s * RPT + j * KE, KE)])
        pltpu.sync_copy(val.at[pl.ds(0, 64)],
                        acc.at[pl.ds(s * RPT + 7 * KE, 64)])

        @pl.when(s == TILES - 1)
        def _():
            pltpu.sync_copy(val.at[pl.ds(0, 16)],
                            acc.at[pl.ds(TILES * RPT, N - TILES * RPT)])

    def load_idx(i):
        base = c * E + s * EPT + i * KE
        pltpu.sync_copy(gidx_hbm.at[pl.ds(base, KE)], gidx)
        pltpu.sync_copy(sidx_hbm.at[pl.ds(base, KE)], sidx)

    def drain(out_hbm):
        pltpu.sync_copy(acc.at[pl.ds(s * RPT, RPT)],
                        out_hbm.at[c, pl.ds(s * RPT, RPT)])

        @pl.when(s == TILES - 1)
        def _():
            rem = N - TILES * RPT
            pltpu.sync_copy(acc.at[pl.ds(TILES * RPT, rem)],
                            out_hbm.at[c, pl.ds(TILES * RPT, rem)])

    zero_acc()
    plsc.subcore_barrier()

    @pl.loop(0, CHUNKS)
    def _(i):
        load_idx(i)
        pltpu.async_copy(h1_hbm.at[gidx], mrows, sem).wait()
        pltpu.sync_copy(mrows, acc.at[sidx], add=True)

    plsc.subcore_barrier()
    drain(hsum_hbm)
    zero_acc()
    plsc.subcore_barrier()

    @pl.loop(0, CHUNKS)
    def _(i):
        load_idx(i)
        pltpu.async_copy(pack_hbm.at[gidx], prows, sem).wait()
        pltpu.async_copy(mxfb_hbm.at[sidx], mrows, sem).wait()

        @pl.loop(0, KE)
        def _(e):
            for j in range(8):
                c1v = prows[e, pl.ds(16 * j, 16)]
                hUv = prows[e, pl.ds(H + 16 * j, 16)]
                mv = mrows[e, pl.ds(16 * j, 16)]
                val[e, pl.ds(16 * j, 16)] = c1v / (1.0 + jnp.exp(mv - hUv))

        pltpu.sync_copy(val, acc.at[sidx], add=True)

    plsc.subcore_barrier()
    drain(fc_hbm)


def _run_edge_sc(gidx_all, sidx_all, h1, pack, mxfb):
    mesh = plsc.VectorSubcoreMesh(core_axis_name="c", subcore_axis_name="s")
    f32 = jnp.float32
    return pl.kernel(
        _edge_sc_body,
        out_type=[
            jax.ShapeDtypeStruct((2, N, H), f32),
            jax.ShapeDtypeStruct((2, N, H), f32),
        ],
        mesh=mesh,
        scratch_types=[
            pltpu.VMEM_SHARED((N, H), f32),
            pltpu.VMEM((KE,), jnp.int32),
            pltpu.VMEM((KE,), jnp.int32),
            pltpu.VMEM((KE, 2 * H), f32),
            pltpu.VMEM((KE, H), f32),
            pltpu.VMEM((KE, H), f32),
            pltpu.SemaphoreType.DMA,
        ],
    )(gidx_all, sidx_all, h1, pack, mxfb)


def _k2_body(x_ioub_ref, hsf_ref, fcf_ref, hsb_ref, fcb_ref, U_iou_ref,
             W_out_ref, R1_ref, R1b_ref, R2_ref, R2b_ref, gnn_ref, bgi_ref,
             V1_ref, V1b_ref, V2_ref, V2b_ref, Q1_ref, Q1b_ref, Q2_ref,
             Q2b_ref, L_ref, Lb_ref, out_ref, outg_ref):
    step = pl.program_id(0)
    nsteps = pl.num_programs(0)

    def direction(hs, fc):
        iou = x_ioub_ref[...] + hs @ U_iou_ref[...]
        i = iou[:, :H]
        o = iou[:, H:2 * H]
        u = iou[:, 2 * H:]
        c = _sig(i) * jnp.tanh(u) + fc
        h = _sig(o) * jnp.tanh(c)
        return h @ W_out_ref[...]

    fwd = direction(hsf_ref[...], fcf_ref[...])
    bwd = direction(hsb_ref[...], fcb_ref[...])
    state = jnp.concatenate([fwd, bwd], axis=1)
    state = jax.nn.relu(
        state + jax.nn.relu(state @ R1_ref[...] + R1b_ref[...]) @ R2_ref[...]
        + R2b_ref[...])

    oh = (gnn_ref[...] == lax.broadcasted_iota(jnp.int32, (BLK2, G), 1))
    contrib = lax.dot_general(oh.astype(jnp.float32), state,
                              (((0,), (0,)), ((), ())))

    @pl.when(step == 0)
    def _():
        outg_ref[...] = contrib

    @pl.when(step != 0)
    def _():
        outg_ref[...] = outg_ref[...] + contrib

    @pl.when(step == nsteps - 1)
    def _():
        oh2 = (bgi_ref[...] == lax.broadcasted_iota(jnp.int32, (G, B), 1))
        obj = lax.dot_general(oh2.astype(jnp.float32), outg_ref[...],
                              (((0,), (0,)), ((), ())))
        out = jnp.concatenate([obj, jnp.zeros_like(obj)], axis=1)
        vf = jax.nn.relu(out @ V1_ref[...] + V1b_ref[...]) @ V2_ref[...] \
            + V2b_ref[...]
        lemma_q = jax.nn.relu(
            out + jax.nn.relu(out @ Q1_ref[...] + Q1b_ref[...]) @ Q2_ref[...]
            + Q2b_ref[...])
        lemma = jax.nn.relu(lemma_q) @ L_ref[...] + Lb_ref[...]
        out_ref[...] = jnp.concatenate([vf, lemma], axis=1)


def _run_k2(x_ioub, hsf, fcf, hsb, fcb, U_iou, W_out, R1, R1b, R2, R2b,
            gnn2d, bgi2d, V1, V1b, V2, V2b, Q1, Q1b, Q2, Q2b, L, Lb):
    n_blocks = N // BLK2
    full = lambda shape: pl.BlockSpec(shape, lambda i: (0,) * len(shape))
    row = lambda w: pl.BlockSpec((BLK2, w), lambda i: (i, 0))
    return pl.pallas_call(
        _k2_body,
        grid=(n_blocks,),
        in_specs=[
            row(3 * H), row(H), row(H), row(H), row(H),
            full((H, 3 * H)),
            full((H, 64)),
            full((2 * 64, 2 * 64)), full((1, 2 * 64)),
            full((2 * 64, 2 * 64)), full((1, 2 * 64)),
            pl.BlockSpec((BLK2, 1), lambda i: (i, 0)),
            full((G, 1)),
            full((2 * H, H)), full((1, H)),
            full((H, 1)), full((1, 1)),
            full((2 * H, 2 * H)), full((1, 2 * H)),
            full((2 * H, 2 * H)), full((1, 2 * H)),
            full((2 * H, NUM_LEMMAS)), full((1, NUM_LEMMAS)),
        ],
        out_specs=pl.BlockSpec((B, 1 + NUM_LEMMAS), lambda i: (0, 0)),
        out_shape=jax.ShapeDtypeStruct((B, 1 + NUM_LEMMAS), jnp.float32),
        scratch_shapes=[pltpu.VMEM((G, H), jnp.float32)],
    )(x_ioub, hsf, fcf, hsb, fcb, U_iou, W_out, R1, R1b, R2, R2b, gnn2d,
      bgi2d, V1, V1b, V2, V2b, Q1, Q1b, Q2, Q2b, L, Lb)


def kernel(node_ids, edge_src, edge_dst, gnn_ind, batch_gnn_ind, W_emb,
           W_iou, U_iou, b_iou, W_f, U_f, b_f, W_out, R1, R1b, R2, R2b, V1,
           V1b, V2, V2b, Q1, Q1b, Q2, Q2b, L, Lb):
    i32 = jnp.int32
    ids2d = node_ids.astype(i32).reshape(N, 1)
    gnn2d = gnn_ind.astype(i32).reshape(N, 1)
    bgi2d = batch_gnn_ind.astype(i32).reshape(G, 1)
    row1 = lambda v: v.reshape(1, -1)

    x_ioub, h1, pack, mxfb = _run_k1(
        ids2d, W_emb, W_iou, row1(b_iou), W_f, row1(b_f), U_f)

    gidx_all = jnp.concatenate([edge_src, edge_dst]).astype(i32)
    sidx_all = jnp.concatenate([edge_dst, edge_src]).astype(i32)
    hsum2, fc2 = _run_edge_sc(gidx_all, sidx_all, h1, pack, mxfb)
    hsf, fcf = hsum2[0], fc2[0]
    hsb, fcb = hsum2[1], fc2[1]

    return _run_k2(x_ioub, hsf, fcf, hsb, fcb, U_iou, W_out, R1, row1(R1b),
                   R2, row1(R2b), gnn2d, bgi2d, V1, row1(V1b), V2, row1(V2b),
                   Q1, row1(Q1b), Q2, row1(Q2b), L, row1(Lb))

# --- scband reference (transcript-rebuilt; emitter-appended) ---
"""Pipeline reference for scband-thm-net-24068996726972 (READ-ONLY COPY).

The authoritative reference and input builder live on the scoring server;
editing this copy changes nothing except your own understanding.
"""

import jax, jax.numpy as jnp
import numpy as np

N = 10000
E = 320000
H = 128
NUM_IN = 2004
HALF = 64
SD = 128
G = 256
B = 32
NUM_LEMMAS = 1000


def setup_inputs(seed: int = 0):
    key = jax.random.key(seed)
    ks = jax.random.split(key, 32)
    s = 0.05
    inp = {}
    inp['node_ids'] = jax.random.randint(ks[0], (N,), 0, NUM_IN)
    inp['edge_src'] = jax.random.randint(ks[1], (E,), 0, N)
    inp['edge_dst'] = jax.random.randint(ks[2], (E,), 0, N)
    inp['gnn_ind'] = jnp.sort(jax.random.randint(ks[3], (N,), 0, G))
    inp['batch_gnn_ind'] = jnp.sort(jax.random.randint(ks[4], (G,), 0, B))
    inp['W_emb'] = jax.random.normal(ks[5], (NUM_IN, H)) * s
    inp['W_iou'] = jax.random.normal(ks[6], (H, 3 * H)) * s
    inp['U_iou'] = jax.random.normal(ks[7], (H, 3 * H)) * s
    inp['b_iou'] = jnp.zeros((3 * H,))
    inp['W_f'] = jax.random.normal(ks[8], (H, H)) * s
    inp['U_f'] = jax.random.normal(ks[9], (H, H)) * s
    inp['b_f'] = jnp.zeros((H,))
    inp['W_out'] = jax.random.normal(ks[10], (H, HALF)) * s
    inp['R1'] = jax.random.normal(ks[11], (SD, SD)) * s
    inp['R1b'] = jnp.zeros((SD,))
    inp['R2'] = jax.random.normal(ks[12], (SD, SD)) * s
    inp['R2b'] = jnp.zeros((SD,))
    inp['V1'] = jax.random.normal(ks[13], (2 * SD, SD)) * s
    inp['V1b'] = jnp.zeros((SD,))
    inp['V2'] = jax.random.normal(ks[14], (SD, 1)) * s
    inp['V2b'] = jnp.zeros((1,))
    inp['Q1'] = jax.random.normal(ks[15], (2 * SD, 2 * SD)) * s
    inp['Q1b'] = jnp.zeros((2 * SD,))
    inp['Q2'] = jax.random.normal(ks[16], (2 * SD, 2 * SD)) * s
    inp['Q2b'] = jnp.zeros((2 * SD,))
    inp['L'] = jax.random.normal(ks[17], (2 * SD, NUM_LEMMAS)) * s
    inp['Lb'] = jnp.zeros((NUM_LEMMAS,))
    return inp


def _tree_lstm(x_emb, src, dst, W_iou, U_iou, b_iou, W_f, U_f, b_f, W_out):
    # Child-sum TreeLSTM message passing (h, c initialized to zeros as in the
    # original GroundTruthEncoderDGL.forward); 2 propagation steps.
    n = x_emb.shape[0]
    h = jnp.zeros((n, H), dtype=x_emb.dtype)
    c = jnp.zeros((n, H), dtype=x_emb.dtype)
    x_iou = x_emb @ W_iou
    x_f = x_emb @ W_f
    for _ in range(2):
        h_src = h[src]
        c_src = c[src]
        h_sum = jnp.zeros_like(h).at[dst].add(h_src)
        f_e = jax.nn.sigmoid(x_f[dst] + h_src @ U_f + b_f)
        fc = jnp.zeros_like(c).at[dst].add(f_e * c_src)
        iou = x_iou + h_sum @ U_iou + b_iou
        i, o, u = jnp.split(iou, 3, axis=-1)
        c = jax.nn.sigmoid(i) * jnp.tanh(u) + fc
        h = jax.nn.sigmoid(o) * jnp.tanh(c)
    return h @ W_out


def reference(node_ids, edge_src, edge_dst, gnn_ind, batch_gnn_ind, W_emb, W_iou, U_iou, b_iou, W_f, U_f, b_f, W_out, R1, R1b, R2, R2b, V1, V1b, V2, V2b, Q1, Q1b, Q2, Q2b, L, Lb):
    # node feature lookup (one-hot @ embedding == gather)
    x_emb = W_emb[node_ids]
    # forward-direction and backward-direction TreeLSTM encoders (shared weights)
    fwd_h = _tree_lstm(x_emb, edge_src, edge_dst, W_iou, U_iou, b_iou, W_f, U_f, b_f, W_out)
    bwd_h = _tree_lstm(x_emb, edge_dst, edge_src, W_iou, U_iou, b_iou, W_f, U_f, b_f, W_out)
    state = jnp.concatenate([fwd_h, bwd_h], axis=-1)
    # FCResBlock
    state = jax.nn.relu(state + (jax.nn.relu(state @ R1 + R1b) @ R2 + R2b))
    # scatter_add over per-graph indices, then per-batch indices
    out_g = jax.ops.segment_sum(state, gnn_ind, num_segments=G)
    obj_out = jax.ops.segment_sum(out_g, batch_gnn_ind, num_segments=B)
    gt_out = jnp.zeros_like(obj_out)
    out = jnp.concatenate([obj_out, gt_out], axis=1)
    vf = jax.nn.relu(out @ V1 + V1b) @ V2 + V2b
    lemma_q = jax.nn.relu(out + (jax.nn.relu(out @ Q1 + Q1b) @ Q2 + Q2b))
    lemma_outputs = jax.nn.relu(lemma_q) @ L + Lb
    return jnp.concatenate([vf, lemma_outputs], axis=1)

if __name__ == "__main__":
    import jax
    _d = setup_inputs()
    print(jax.jit(kernel)(*tuple(_d.values())))

</pallas_src>

<mosaic_0001>
#map = affine_map<(d0, d1) -> (0)>
#map1 = affine_map<(d0, d1) -> (0, 0)>
#map2 = affine_map<(d0, d1) -> (0, 0, 0)>
module attributes {stable_mosaic.version = 14 : i64} {
  func.func @_edge_sc_body(%arg0: i32, %arg1: i32, %arg2: memref<640000xi32, #tpu.memory_space<hbm>>, %arg3: memref<640000xi32, #tpu.memory_space<hbm>>, %arg4: memref<10000x128xf32, #tpu.memory_space<hbm>>, %arg5: memref<10000x256xf32, #tpu.memory_space<hbm>>, %arg6: memref<10000x128xf32, #tpu.memory_space<hbm>>, %arg7: memref<2x10000x128xf32, #tpu.memory_space<hbm>>, %arg8: memref<2x10000x128xf32, #tpu.memory_space<hbm>>, %arg9: memref<10000x128xf32, #tpu.memory_space<vmem_shared>>, %arg10: memref<80xi32, #tpu.memory_space<vmem>>, %arg11: memref<80xi32, #tpu.memory_space<vmem>>, %arg12: memref<80x256xf32, #tpu.memory_space<vmem>>, %arg13: memref<80x128xf32, #tpu.memory_space<vmem>>, %arg14: memref<80x128xf32, #tpu.memory_space<vmem>>, %arg15: memref<!tpu.dma_semaphore, #tpu.memory_space<semaphore_mem>>) attributes {dimension_semantics = [#tpu.dimension_semantics<core_parallel>, #tpu.dimension_semantics<subcore_parallel>], iteration_bounds = array<i64: 2, 16>, scalar_prefetch = 0 : i64, scratch_operands = 7 : i64, tpu.core_type = #tpu.core_type<sc_vector_subcore>, window_params = [{transform_indices = #map}, {transform_indices = #map}, {transform_indices = #map1}, {transform_indices = #map1}, {transform_indices = #map1}, {transform_indices = #map2}, {transform_indices = #map2}]} {
    %broadcast_in_dim3A = arith.constant 0.000000e+00 : f32
    %broadcast_in_dim3A_0 = vector.broadcast %broadcast_in_dim3A : f32 to vector<16xf32>
    %scan3A = arith.constant 0 : i32
    %scan3A_1 = arith.constant 80 : i32
    %scan3A_2 = arith.addi %scan3A, %scan3A_1 : i32
    %scan3A_3 = arith.constant 1 : i32
    scf.for %scan3A_105 = %scan3A to %scan3A_2 step %scan3A_3  : i32 {
      %mul3A_106 = arith.constant 1 : i32
      %mul3A_107 = arith.muli %scan3A_105, %mul3A_106 : i32
      %add3A_108 = arith.constant 0 : i32
      %add3A_109 = arith.addi %add3A_108, %mul3A_107 : i32
      %swap3A = arith.index_cast %add3A_109 : i32 to index
      %swap3A_110 = arith.constant 0 : index
      %swap3A_111 = tpu.vector_load %arg14[%swap3A, %swap3A_110] {strides = array<i32>} : memref<80x128xf32, #tpu.memory_space<vmem>>, vector<1x16xf32>,
      %swap3A_112 = vector.shape_cast %swap3A_111 : vector<1x16xf32> to vector<16xf32>
      %swap3A_113 = vector.shape_cast %broadcast_in_dim3A_0 : vector<16xf32> to vector<1x16xf32>
      tpu.vector_store %arg14[%swap3A, %swap3A_110], %swap3A_113 {strides = array<i32>} : memref<80x128xf32, #tpu.memory_space<vmem>>, vector<1x16xf32>,
      %swap3A_114 = arith.index_cast %add3A_109 : i32 to index
      %swap3A_115 = arith.constant 16 : index
      %swap3A_116 = tpu.vector_load %arg14[%swap3A_114, %swap3A_115] {strides = array<i32>} : memref<80x128xf32, #tpu.memory_space<vmem>>, vector<1x16xf32>,
      %swap3A_117 = vector.shape_cast %swap3A_116 : vector<1x16xf32> to vector<16xf32>
      %swap3A_118 = vector.shape_cast %broadcast_in_dim3A_0 : vector<16xf32> to vector<1x16xf32>
      tpu.vector_store %arg14[%swap3A_114, %swap3A_115], %swap3A_118 {strides = array<i32>} : memref<80x128xf32, #tpu.memory_space<vmem>>, vector<1x16xf32>,
      %swap3A_119 = arith.index_cast %add3A_109 : i32 to index
      %swap3A_120 = arith.constant 32 : index
      %swap3A_121 = tpu.vector_load %arg14[%swap3A_119, %swap3A_120] {strides = array<i32>} : memref<80x128xf32, #tpu.memory_space<vmem>>, vector<1x16xf32>,
      %swap3A_122 = vector.shape_cast %swap3A_121 : vector<1x16xf32> to vector<16xf32>
      %swap3A_123 = vector.shape_cast %broadcast_in_dim3A_0 : vector<16xf32> to vector<1x16xf32>
      tpu.vector_store %arg14[%swap3A_119, %swap3A_120], %swap3A_123 {strides = array<i32>} : memref<80x128xf32, #tpu.memory_space<vmem>>, vector<1x16xf32>,
      %swap3A_124 = arith.index_cast %add3A_109 : i32 to index
      %swap3A_125 = arith.constant 48 : index
      %swap3A_126 = tpu.vector_load %arg14[%swap3A_124, %swap3A_125] {strides = array<i32>} : memref<80x128xf32, #tpu.memory_space<vmem>>, vector<1x16xf32>,
      %swap3A_127 = vector.shape_cast %swap3A_126 : vector<1x16xf32> to vector<16xf32>
      %swap3A_128 = vector.shape_cast %broadcast_in_dim3A_0 : vector<16xf32> to vector<1x16xf32>
      tpu.vector_store %arg14[%swap3A_124, %swap3A_125], %swap3A_128 {strides = array<i32>} : memref<80x128xf32, #tpu.memory_space<vmem>>, vector<1x16xf32>,
      %swap3A_129 = arith.index_cast %add3A_109 : i32 to index
      %swap3A_130 = arith.constant 64 : index
      %swap3A_131 = tpu.vector_load %arg14[%swap3A_129, %swap3A_130] {strides = array<i32>} : memref<80x128xf32, #tpu.memory_space<vmem>>, vector<1x16xf32>,
      %swap3A_132 = vector.shape_cast %swap3A_131 : vector<1x16xf32> to vector<16xf32>
      %swap3A_133 = vector.shape_cast %broadcast_in_dim3A_0 : vector<16xf32> to vector<1x16xf32>
      tpu.vector_store %arg14[%swap3A_129, %swap3A_130], %swap3A_133 {strides = array<i32>} : memref<80x128xf32, #tpu.memory_space<vmem>>, vector<1x16xf32>,
      %swap3A_134 = arith.index_cast %add3A_109 : i32 to index
      %swap3A_135 = arith.constant 80 : index
      %swap3A_136 = tpu.vector_load %arg14[%swap3A_134, %swap3A_135] {strides = array<i32>} : memref<80x128xf32, #tpu.memory_space<vmem>>, vector<1x16xf32>,
      %swap3A_137 = vector.shape_cast %swap3A_136 : vector<1x16xf32> to vector<16xf32>
      %swap3A_138 = vector.shape_cast %broadcast_in_dim3A_0 : vector<16xf32> to vector<1x16xf32>
      tpu.vector_store %arg14[%swap3A_134, %swap3A_135], %swap3A_138 {strides = array<i32>} : memref<80x128xf32, #tpu.memory_space<vmem>>, vector<1x16xf32>,
      %swap3A_139 = arith.index_cast %add3A_109 : i32 to index
      %swap3A_140 = arith.constant 96 : index
      %swap3A_141 = tpu.vector_load %arg14[%swap3A_139, %swap3A_140] {strides = array<i32>} : memref<80x128xf32, #tpu.memory_space<vmem>>, vector<1x16xf32>,
      %swap3A_142 = vector.shape_cast %swap3A_141 : vector<1x16xf32> to vector<16xf32>
      %swap3A_143 = vector.shape_cast %broadcast_in_dim3A_0 : vector<16xf32> to vector<1x16xf32>
      tpu.vector_store %arg14[%swap3A_139, %swap3A_140], %swap3A_143 {strides = array<i32>} : memref<80x128xf32, #tpu.memory_space<vmem>>, vector<1x16xf32>,
      %swap3A_144 = arith.index_cast %add3A_109 : i32 to index
      %swap3A_145 = arith.constant 112 : index
      %swap3A_146 = tpu.vector_load %arg14[%swap3A_144, %swap3A_145] {strides = array<i32>} : memref<80x128xf32, #tpu.memory_space<vmem>>, vector<1x16xf32>,
      %swap3A_147 = vector.shape_cast %swap3A_146 : vector<1x16xf32> to vector<16xf32>
      %swap3A_148 = vector.shape_cast %broadcast_in_dim3A_0 : vector<16xf32> to vector<1x16xf32>
      tpu.vector_store %arg14[%swap3A_144, %swap3A_145], %swap3A_148 {strides = array<i32>} : memref<80x128xf32, #tpu.memory_space<vmem>>, vector<1x16xf32>,
    }
    %scan3A_4 = arith.constant 80 : i32
    %mul3A = arith.constant 624 : i32
    %mul3A_5 = arith.muli %arg1, %mul3A : i32
    %add3A = arith.constant 0 : i32
    %add3A_6 = arith.addi %mul3A_5, %add3A : i32
    "tpu.region"() ({
      %run_scoped3A = tpu.sem_alloc : memref<!tpu.dma_semaphore, #tpu.memory_space<semaphore_mem>>
      %dma_start3A = arith.constant 0 : i32
      %dma_start3A_105 = tpu.memref_slice %arg9[%add3A_6, %dma_start3A] : memref<10000x128xf32, #tpu.memory_space<vmem_shared>> -> memref<80x128xf32, #tpu.memory_space<vmem_shared>>
      %dma_start3A_106 = arith.constant 0 : i32
      %dma_start3A_107 = tpu.memref_slice %arg9[%add3A_6, %dma_start3A_106] : memref<10000x128xf32, #tpu.memory_space<vmem_shared>> -> memref<80x128xf32, #tpu.memory_space<vmem_shared>>
      tpu.enqueue_dma source(%arg14 : memref<80x128xf32, #tpu.memory_space<vmem>>) target(%dma_start3A_107 : memref<80x128xf32, #tpu.memory_space<vmem_shared>>) target_semaphore(%run_scoped3A : memref<!tpu.dma_semaphore, #tpu.memory_space<semaphore_mem>>)
      %dma_wait3A = arith.constant 0 : i32
      %dma_wait3A_108 = tpu.memref_slice %arg9[%add3A_6, %dma_wait3A] : memref<10000x128xf32, #tpu.memory_space<vmem_shared>> -> memref<80x128xf32, #tpu.memory_space<vmem_shared>>
      %dma_wait3A_109 = arith.constant 0 : i32
      %dma_wait3A_110 = tpu.memref_slice %arg9[%add3A_6, %dma_wait3A_109] : memref<10000x128xf32, #tpu.memory_space<vmem_shared>> -> memref<80x128xf32, #tpu.memory_space<vmem_shared>>
      tpu.wait_dma2 semaphore(%run_scoped3A : memref<!tpu.dma_semaphore, #tpu.memory_space<semaphore_mem>>) src(%arg14 : memref<80x128xf32, #tpu.memory_space<vmem>>) dst(%dma_wait3A_110 : memref<80x128xf32, #tpu.memory_space<vmem_shared>>)
      tpu.yield
    }) : () -> ()
    %mul3A_7 = arith.constant 624 : i32
    %mul3A_8 = arith.muli %arg1, %mul3A_7 : i32
    %add3A_9 = arith.constant 80 : i32
    %add3A_10 = arith.addi %mul3A_8, %add3A_9 : i32
    "tpu.region"() ({
      %run_scoped3A = tpu.sem_alloc : memref<!tpu.dma_semaphore, #tpu.memory_space<semaphore_mem>>
      %dma_start3A = arith.constant 0 : i32
      %dma_start3A_105 = tpu.memref_slice %arg9[%add3A_10, %dma_start3A] : memref<10000x128xf32, #tpu.memory_space<vmem_shared>> -> memref<80x128xf32, #tpu.memory_space<vmem_shared>>
      %dma_start3A_106 = arith.constant 0 : i32
      %dma_start3A_107 = tpu.memref_slice %arg9[%add3A_10, %dma_start3A_106] : memref<10000x128xf32, #tpu.memory_space<vmem_shared>> -> memref<80x128xf32, #tpu.memory_space<vmem_shared>>
      tpu.enqueue_dma source(%arg14 : memref<80x128xf32, #tpu.memory_space<vmem>>) target(%dma_start3A_107 : memref<80x128xf32, #tpu.memory_space<vmem_shared>>) target_semaphore(%run_scoped3A : memref<!tpu.dma_semaphore, #tpu.memory_space<semaphore_mem>>)
      %dma_wait3A = arith.constant 0 : i32
      %dma_wait3A_108 = tpu.memref_slice %arg9[%add3A_10, %dma_wait3A] : memref<10000x128xf32, #tpu.memory_space<vmem_shared>> -> memref<80x128xf32, #tpu.memory_space<vmem_shared>>
      %dma_wait3A_109 = arith.constant 0 : i32
      %dma_wait3A_110 = tpu.memref_slice %arg9[%add3A_10, %dma_wait3A_109] : memref<10000x128xf32, #tpu.memory_space<vmem_shared>> -> memref<80x128xf32, #tpu.memory_space<vmem_shared>>
      tpu.wait_dma2 semaphore(%run_scoped3A : memref<!tpu.dma_semaphore, #tpu.memory_space<semaphore_mem>>) src(%arg14 : memref<80x128xf32, #tpu.memory_space<vmem>>) dst(%dma_wait3A_110 : memref<80x128xf32, #tpu.memory_space<vmem_shared>>)
      tpu.yield
    }) : () -> ()
    %mul3A_11 = arith.constant 624 : i32
    %mul3A_12 = arith.muli %arg1, %mul3A_11 : i32
    %add3A_13 = arith.constant 160 : i32
    %add3A_14 = arith.addi %mul3A_12, %add3A_13 : i32
    "tpu.region"() ({
      %run_scoped3A = tpu.sem_alloc : memref<!tpu.dma_semaphore, #tpu.memory_space<semaphore_mem>>
      %dma_start3A = arith.constant 0 : i32
      %dma_start3A_105 = tpu.memref_slice %arg9[%add3A_14, %dma_start3A] : memref<10000x128xf32, #tpu.memory_space<vmem_shared>> -> memref<80x128xf32, #tpu.memory_space<vmem_shared>>
      %dma_start3A_106 = arith.constant 0 : i32
      %dma_start3A_107 = tpu.memref_slice %arg9[%add3A_14, %dma_start3A_106] : memref<10000x128xf32, #tpu.memory_space<vmem_shared>> -> memref<80x128xf32, #tpu.memory_space<vmem_shared>>
      tpu.enqueue_dma source(%arg14 : memref<80x128xf32, #tpu.memory_space<vmem>>) target(%dma_start3A_107 : memref<80x128xf32, #tpu.memory_space<vmem_shared>>) target_semaphore(%run_scoped3A : memref<!tpu.dma_semaphore, #tpu.memory_space<semaphore_mem>>)
      %dma_wait3A = arith.constant 0 : i32
      %dma_wait3A_108 = tpu.memref_slice %arg9[%add3A_14, %dma_wait3A] : memref<10000x128xf32, #tpu.memory_space<vmem_shared>> -> memref<80x128xf32, #tpu.memory_space<vmem_shared>>
      %dma_wait3A_109 = arith.constant 0 : i32
      %dma_wait3A_110 = tpu.memref_slice %arg9[%add3A_14, %dma_wait3A_109] : memref<10000x128xf32, #tpu.memory_space<vmem_shared>> -> memref<80x128xf32, #tpu.memory_space<vmem_shared>>
      tpu.wait_dma2 semaphore(%run_scoped3A : memref<!tpu.dma_semaphore, #tpu.memory_space<semaphore_mem>>) src(%arg14 : memref<80x128xf32, #tpu.memory_space<vmem>>) dst(%dma_wait3A_110 : memref<80x128xf32, #tpu.memory_space<vmem_shared>>)
      tpu.yield
    }) : () -> ()
    %mul3A_15 = arith.constant 624 : i32
    %mul3A_16 = arith.muli %arg1, %mul3A_15 : i32
    %add3A_17 = arith.constant 240 : i32
    %add3A_18 = arith.addi %mul3A_16, %add3A_17 : i32
    "tpu.region"() ({
      %run_scoped3A = tpu.sem_alloc : memref<!tpu.dma_semaphore, #tpu.memory_space<semaphore_mem>>
      %dma_start3A = arith.constant 0 : i32
      %dma_start3A_105 = tpu.memref_slice %arg9[%add3A_18, %dma_start3A] : memref<10000x128xf32, #tpu.memory_space<vmem_shared>> -> memref<80x128xf32, #tpu.memory_space<vmem_shared>>
      %dma_start3A_106 = arith.constant 0 : i32
      %dma_start3A_107 = tpu.memref_slice %arg9[%add3A_18, %dma_start3A_106] : memref<10000x128xf32, #tpu.memory_space<vmem_shared>> -> memref<80x128xf32, #tpu.memory_space<vmem_shared>>
      tpu.enqueue_dma source(%arg14 : memref<80x128xf32, #tpu.memory_space<vmem>>) target(%dma_start3A_107 : memref<80x128xf32, #tpu.memory_space<vmem_shared>>) target_semaphore(%run_scoped3A : memref<!tpu.dma_semaphore, #tpu.memory_space<semaphore_mem>>)
      %dma_wait3A = arith.constant 0 : i32
      %dma_wait3A_108 = tpu.memref_slice %arg9[%add3A_18, %dma_wait3A] : memref<10000x128xf32, #tpu.memory_space<vmem_shared>> -> memref<80x128xf32, #tpu.memory_space<vmem_shared>>
      %dma_wait3A_109 = arith.constant 0 : i32
      %dma_wait3A_110 = tpu.memref_slice %arg9[%add3A_18, %dma_wait3A_109] : memref<10000x128xf32, #tpu.memory_space<vmem_shared>> -> memref<80x128xf32, #tpu.memory_space<vmem_shared>>
      tpu.wait_dma2 semaphore(%run_scoped3A : memref<!tpu.dma_semaphore, #tpu.memory_space<semaphore_mem>>) src(%arg14 : memref<80x128xf32, #tpu.memory_space<vmem>>) dst(%dma_wait3A_110 : memref<80x128xf32, #tpu.memory_space<vmem_shared>>)
      tpu.yield
    }) : () -> ()
    %mul3A_19 = arith.constant 624 : i32
    %mul3A_20 = arith.muli %arg1, %mul3A_19 : i32
    %add3A_21 = arith.constant 320 : i32
    %add3A_22 = arith.addi %mul3A_20, %add3A_21 : i32
    "tpu.region"() ({
      %run_scoped3A = tpu.sem_alloc : memref<!tpu.dma_semaphore, #tpu.memory_space<semaphore_mem>>
      %dma_start3A = arith.constant 0 : i32
      %dma_start3A_105 = tpu.memref_slice %arg9[%add3A_22, %dma_start3A] : memref<10000x128xf32, #tpu.memory_space<vmem_shared>> -> memref<80x128xf32, #tpu.memory_space<vmem_shared>>
      %dma_start3A_106 = arith.constant 0 : i32
      %dma_start3A_107 = tpu.memref_slice %arg9[%add3A_22, %dma_start3A_106] : memref<10000x128xf32, #tpu.memory_space<vmem_shared>> -> memref<80x128xf32, #tpu.memory_space<vmem_shared>>
      tpu.enqueue_dma source(%arg14 : memref<80x128xf32, #tpu.memory_space<vmem>>) target(%dma_start3A_107 : memref<80x128xf32, #tpu.memory_space<vmem_shared>>) target_semaphore(%run_scoped3A : memref<!tpu.dma_semaphore, #tpu.memory_space<semaphore_mem>>)
      %dma_wait3A = arith.constant 0 : i32
      %dma_wait3A_108 = tpu.memref_slice %arg9[%add3A_22, %dma_wait3A] : memref<10000x128xf32, #tpu.memory_space<vmem_shared>> -> memref<80x128xf32, #tpu.memory_space<vmem_shared>>
      %dma_wait3A_109 = arith.constant 0 : i32
      %dma_wait3A_110 = tpu.memref_slice %arg9[%add3A_22, %dma_wait3A_109] : memref<10000x128xf32, #tpu.memory_space<vmem_shared>> -> memref<80x128xf32, #tpu.memory_space<vmem_shared>>
      tpu.wait_dma2 semaphore(%run_scoped3A : memref<!tpu.dma_semaphore, #tpu.memory_space<semaphore_mem>>) src(%arg14 : memref<80x128xf32, #tpu.memory_space<vmem>>) dst(%dma_wait3A_110 : memref<80x128xf32, #tpu.memory_space<vmem_shared>>)
      tpu.yield
    }) : () -> ()
    %mul3A_23 = arith.constant 624 : i32
    %mul3A_24 = arith.muli %arg1, %mul3A_23 : i32
    %add3A_25 = arith.constant 400 : i32
    %add3A_26 = arith.addi %mul3A_24, %add3A_25 : i32
    "tpu.region"() ({
      %run_scoped3A = tpu.sem_alloc : memref<!tpu.dma_semaphore, #tpu.memory_space<semaphore_mem>>
      %dma_start3A = arith.constant 0 : i32
      %dma_start3A_105 = tpu.memref_slice %arg9[%add3A_26, %dma_start3A] : memref<10000x128xf32, #tpu.memory_space<vmem_shared>> -> memref<80x128xf32, #tpu.memory_space<vmem_shared>>
      %dma_start3A_106 = arith.constant 0 : i32
      %dma_start3A_107 = tpu.memref_slice %arg9[%add3A_26, %dma_start3A_106] : memref<10000x128xf32, #tpu.memory_space<vmem_shared>> -> memref<80x128xf32, #tpu.memory_space<vmem_shared>>
      tpu.enqueue_dma source(%arg14 : memref<80x128xf32, #tpu.memory_space<vmem>>) target(%dma_start3A_107 : memref<80x128xf32, #tpu.memory_space<vmem_shared>>) target_semaphore(%run_scoped3A : memref<!tpu.dma_semaphore, #tpu.memory_space<semaphore_mem>>)
      %dma_wait3A = arith.constant 0 : i32
      %dma_wait3A_108 = tpu.memref_slice %arg9[%add3A_26, %dma_wait3A] : memref<10000x128xf32, #tpu.memory_space<vmem_shared>> -> memref<80x128xf32, #tpu.memory_space<vmem_shared>>
      %dma_wait3A_109 = arith.constant 0 : i32
      %dma_wait3A_110 = tpu.memref_slice %arg9[%add3A_26, %dma_wait3A_109] : memref<10000x128xf32, #tpu.memory_space<vmem_shared>> -> memref<80x128xf32, #tpu.memory_space<vmem_shared>>
      tpu.wait_dma2 semaphore(%run_scoped3A : memref<!tpu.dma_semaphore, #tpu.memory_space<semaphore_mem>>) src(%arg14 : memref<80x128xf32, #tpu.memory_space<vmem>>) dst(%dma_wait3A_110 : memref<80x128xf32, #tpu.memory_space<vmem_shared>>)
      tpu.yield
    }) : () -> ()
    %mul3A_27 = arith.constant 624 : i32
    %mul3A_28 = arith.muli %arg1, %mul3A_27 : i32
    %add3A_29 = arith.constant 480 : i32
    %add3A_30 = arith.addi %mul3A_28, %add3A_29 : i32
    "tpu.region"() ({
      %run_scoped3A = tpu.sem_alloc : memref<!tpu.dma_semaphore, #tpu.memory_space<semaphore_mem>>
      %dma_start3A = arith.constant 0 : i32
      %dma_start3A_105 = tpu.memref_slice %arg9[%add3A_30, %dma_start3A] : memref<10000x128xf32, #tpu.memory_space<vmem_shared>> -> memref<80x128xf32, #tpu.memory_space<vmem_shared>>
      %dma_start3A_106 = arith.constant 0 : i32
      %dma_start3A_107 = tpu.memref_slice %arg9[%add3A_30, %dma_start3A_106] : memref<10000x128xf32, #tpu.memory_space<vmem_shared>> -> memref<80x128xf32, #tpu.memory_space<vmem_shared>>
      tpu.enqueue_dma source(%arg14 : memref<80x128xf32, #tpu.memory_space<vmem>>) target(%dma_start3A_107 : memref<80x128xf32, #tpu.memory_space<vmem_shared>>) target_semaphore(%run_scoped3A : memref<!tpu.dma_semaphore, #tpu.memory_space<semaphore_mem>>)
      %dma_wait3A = arith.constant 0 : i32
      %dma_wait3A_108 = tpu.memref_slice %arg9[%add3A_30, %dma_wait3A] : memref<10000x128xf32, #tpu.memory_space<vmem_shared>> -> memref<80x128xf32, #tpu.memory_space<vmem_shared>>
      %dma_wait3A_109 = arith.constant 0 : i32
      %dma_wait3A_110 = tpu.memref_slice %arg9[%add3A_30, %dma_wait3A_109] : memref<10000x128xf32, #tpu.memory_space<vmem_shared>> -> memref<80x128xf32, #tpu.memory_space<vmem_shared>>
      tpu.wait_dma2 semaphore(%run_scoped3A : memref<!tpu.dma_semaphore, #tpu.memory_space<semaphore_mem>>) src(%arg14 : memref<80x128xf32, #tpu.memory_space<vmem>>) dst(%dma_wait3A_110 : memref<80x128xf32, #tpu.memory_space<vmem_shared>>)
      tpu.yield
    }) : () -> ()
    %mul3A_31 = arith.constant 624 : i32
    %mul3A_32 = arith.muli %arg1, %mul3A_31 : i32
    %add3A_33 = arith.constant 560 : i32
    %add3A_34 = arith.addi %mul3A_32, %add3A_33 : i32
    "tpu.region"() ({
      %run_scoped3A = tpu.sem_alloc : memref<!tpu.dma_semaphore, #tpu.memory_space<semaphore_mem>>
      %dma_start3A = arith.constant 0 : i32
      %dma_start3A_105 = arith.constant 0 : i32
      %dma_start3A_106 = tpu.memref_slice %arg14[%dma_start3A, %dma_start3A_105] : memref<80x128xf32, #tpu.memory_space<vmem>> -> memref<64x128xf32, #tpu.memory_space<vmem>>
      %dma_start3A_107 = arith.constant 0 : i32
      %dma_start3A_108 = tpu.memref_slice %arg9[%add3A_34, %dma_start3A_107] : memref<10000x128xf32, #tpu.memory_space<vmem_shared>> -> memref<64x128xf32, #tpu.memory_space<vmem_shared>>
      %dma_start3A_109 = arith.constant 0 : i32
      %dma_start3A_110 = tpu.memref_slice %arg9[%add3A_34, %dma_start3A_109] : memref<10000x128xf32, #tpu.memory_space<vmem_shared>> -> memref<64x128xf32, #tpu.memory_space<vmem_shared>>
      %dma_start3A_111 = arith.constant 0 : i32
      %dma_start3A_112 = arith.constant 0 : i32
      %dma_start3A_113 = tpu.memref_slice %arg14[%dma_start3A_111, %dma_start3A_112] : memref<80x128xf32, #tpu.memory_space<vmem>> -> memref<64x128xf32, #tpu.memory_space<vmem>>
      tpu.enqueue_dma source(%dma_start3A_113 : memref<64x128xf32, #tpu.memory_space<vmem>>) target(%dma_start3A_110 : memref<64x128xf32, #tpu.memory_space<vmem_shared>>) target_semaphore(%run_scoped3A : memref<!tpu.dma_semaphore, #tpu.memory_space<semaphore_mem>>)
      %dma_wait3A = arith.constant 0 : i32
      %dma_wait3A_114 = arith.constant 0 : i32
      %dma_wait3A_115 = tpu.memref_slice %arg14[%dma_wait3A, %dma_wait3A_114] : memref<80x128xf32, #tpu.memory_space<vmem>> -> memref<64x128xf32, #tpu.memory_space<vmem>>
      %dma_wait3A_116 = arith.constant 0 : i32
      %dma_wait3A_117 = tpu.memref_slice %arg9[%add3A_34, %dma_wait3A_116] : memref<10000x128xf32, #tpu.memory_space<vmem_shared>> -> memref<64x128xf32, #tpu.memory_space<vmem_shared>>
      %dma_wait3A_118 = arith.constant 0 : i32
      %dma_wait3A_119 = tpu.memref_slice %arg9[%add3A_34, %dma_wait3A_118] : memref<10000x128xf32, #tpu.memory_space<vmem_shared>> -> memref<64x128xf32, #tpu.memory_space<vmem_shared>>
      %dma_wait3A_120 = arith.constant 0 : i32
      %dma_wait3A_121 = arith.constant 0 : i32
      %dma_wait3A_122 = tpu.memref_slice %arg14[%dma_wait3A_120, %dma_wait3A_121] : memref<80x128xf32, #tpu.memory_space<vmem>> -> memref<64x128xf32, #tpu.memory_space<vmem>>
      tpu.wait_dma2 semaphore(%run_scoped3A : memref<!tpu.dma_semaphore, #tpu.memory_space<semaphore_mem>>) src(%dma_wait3A_122 : memref<64x128xf32, #tpu.memory_space<vmem>>) dst(%dma_wait3A_119 : memref<64x128xf32, #tpu.memory_space<vmem_shared>>)
      tpu.yield
    }) : () -> ()
    %eq3A = arith.constant 15 : i32
    %eq3A_35 = arith.cmpi eq, %arg1, %eq3A : i32
    %convert_element_type3A = arith.extui %eq3A_35 : i1 to i32
    %cond3A = arith.constant 0 : i32
    %cond3A_36 = arith.cmpi ne, %convert_element_type3A, %cond3A : i32
    scf.if %cond3A_36 {
      "tpu.region"() ({
        %run_scoped3A = tpu.sem_alloc : memref<!tpu.dma_semaphore, #tpu.memory_space<semaphore_mem>>
        %dma_start3A = arith.constant 0 : i32
        %dma_start3A_105 = arith.constant 0 : i32
        %dma_start3A_106 = tpu.memref_slice %arg14[%dma_start3A, %dma_start3A_105] : memref<80x128xf32, #tpu.memory_space<vmem>> -> memref<16x128xf32, #tpu.memory_space<vmem>>
        %dma_start3A_107 = arith.constant 9984 : i32
        %dma_start3A_108 = arith.constant 0 : i32
        %dma_start3A_109 = tpu.memref_slice %arg9[%dma_start3A_107, %dma_start3A_108] : memref<10000x128xf32, #tpu.memory_space<vmem_shared>> -> memref<16x128xf32, #tpu.memory_space<vmem_shared>>
        %dma_start3A_110 = arith.constant 9984 : i32
        %dma_start3A_111 = arith.constant 0 : i32
        %dma_start3A_112 = tpu.memref_slice %arg9[%dma_start3A_110, %dma_start3A_111] : memref<10000x128xf32, #tpu.memory_space<vmem_shared>> -> memref<16x128xf32, #tpu.memory_space<vmem_shared>>
        %dma_start3A_113 = arith.constant 0 : i32
        %dma_start3A_114 = arith.constant 0 : i32
        %dma_start3A_115 = tpu.memref_slice %arg14[%dma_start3A_113, %dma_start3A_114] : memref<80x128xf32, #tpu.memory_space<vmem>> -> memref<16x128xf32, #tpu.memory_space<vmem>>
        tpu.enqueue_dma source(%dma_start3A_115 : memref<16x128xf32, #tpu.memory_space<vmem>>) target(%dma_start3A_112 : memref<16x128xf32, #tpu.memory_space<vmem_shared>>) target_semaphore(%run_scoped3A : memref<!tpu.dma_semaphore, #tpu.memory_space<semaphore_mem>>)
        %dma_wait3A = arith.constant 0 : i32
        %dma_wait3A_116 = arith.constant 0 : i32
        %dma_wait3A_117 = tpu.memref_slice %arg14[%dma_wait3A, %dma_wait3A_116] : memref<80x128xf32, #tpu.memory_space<vmem>> -> memref<16x128xf32, #tpu.memory_space<vmem>>
        %dma_wait3A_118 = arith.constant 9984 : i32
        %dma_wait3A_119 = arith.constant 0 : i32
        %dma_wait3A_120 = tpu.memref_slice %arg9[%dma_wait3A_118, %dma_wait3A_119] : memref<10000x128xf32, #tpu.memory_space<vmem_shared>> -> memref<16x128xf32, #tpu.memory_space<vmem_shared>>
        %dma_wait3A_121 = arith.constant 9984 : i32
        %dma_wait3A_122 = arith.constant 0 : i32
        %dma_wait3A_123 = tpu.memref_slice %arg9[%dma_wait3A_121, %dma_wait3A_122] : memref<10000x128xf32, #tpu.memory_space<vmem_shared>> -> memref<16x128xf32, #tpu.memory_space<vmem_shared>>
        %dma_wait3A_124 = arith.constant 0 : i32
        %dma_wait3A_125 = arith.constant 0 : i32
        %dma_wait3A_126 = tpu.memref_slice %arg14[%dma_wait3A_124, %dma_wait3A_125] : memref<80x128xf32, #tpu.memory_space<vmem>> -> memref<16x128xf32, #tpu.memory_space<vmem>>
        tpu.wait_dma2 semaphore(%run_scoped3A : memref<!tpu.dma_semaphore, #tpu.memory_space<semaphore_mem>>) src(%dma_wait3A_126 : memref<16x128xf32, #tpu.memory_space<vmem>>) dst(%dma_wait3A_123 : memref<16x128xf32, #tpu.memory_space<vmem_shared>>)
        tpu.yield
      }) : () -> ()
    } else {
    }
    %barrier3A = arith.constant 0 : index
    tpu.barrier barrier_id(%barrier3A)
    %scan3A_37 = arith.constant 0 : i32
    %scan3A_38 = arith.constant 250 : i32
    %scan3A_39 = arith.addi %scan3A_37, %scan3A_38 : i32
    %scan3A_40 = arith.constant 1 : i32
    scf.for %scan3A_105 = %scan3A_37 to %scan3A_39 step %scan3A_40  : i32 {
      %mul3A_106 = arith.constant 1 : i32
      %mul3A_107 = arith.muli %scan3A_105, %mul3A_106 : i32
      %add3A_108 = arith.constant 0 : i32
      %add3A_109 = arith.addi %add3A_108, %mul3A_107 : i32
      %mul3A_110 = arith.constant 320000 : i32
      %mul3A_111 = arith.muli %arg0, %mul3A_110 : i32
      %mul3A_112 = arith.constant 20000 : i32
      %mul3A_113 = arith.muli %arg1, %mul3A_112 : i32
      %add3A_114 = arith.addi %mul3A_111, %mul3A_113 : i32
      %mul3A_115 = arith.constant 80 : i32
      %mul3A_116 = arith.muli %add3A_109, %mul3A_115 : i32
      %add3A_117 = arith.addi %add3A_114, %mul3A_116 : i32
      "tpu.region"() ({
        %run_scoped3A = tpu.sem_alloc : memref<!tpu.dma_semaphore, #tpu.memory_space<semaphore_mem>>
        %dma_start3A_122 = tpu.memref_slice %arg2[%add3A_117] : memref<640000xi32, #tpu.memory_space<hbm>> -> memref<80xi32, #tpu.memory_space<hbm>>
        %dma_start3A_123 = tpu.memref_slice %arg2[%add3A_117] : memref<640000xi32, #tpu.memory_space<hbm>> -> memref<80xi32, #tpu.memory_space<hbm>>
        tpu.enqueue_dma source(%dma_start3A_123 : memref<80xi32, #tpu.memory_space<hbm>>) target(%arg10 : memref<80xi32, #tpu.memory_space<vmem>>) target_semaphore(%run_scoped3A : memref<!tpu.dma_semaphore, #tpu.memory_space<semaphore_mem>>)
        %dma_wait3A_124 = tpu.memref_slice %arg2[%add3A_117] : memref<640000xi32, #tpu.memory_space<hbm>> -> memref<80xi32, #tpu.memory_space<hbm>>
        %dma_wait3A_125 = tpu.memref_slice %arg2[%add3A_117] : memref<640000xi32, #tpu.memory_space<hbm>> -> memref<80xi32, #tpu.memory_space<hbm>>
        tpu.wait_dma2 semaphore(%run_scoped3A : memref<!tpu.dma_semaphore, #tpu.memory_space<semaphore_mem>>) src(%dma_wait3A_125 : memref<80xi32, #tpu.memory_space<hbm>>) dst(%arg10 : memref<80xi32, #tpu.memory_space<vmem>>)
        tpu.yield
      }) : () -> ()
      "tpu.region"() ({
        %run_scoped3A = tpu.sem_alloc : memref<!tpu.dma_semaphore, #tpu.memory_space<semaphore_mem>>
        %dma_start3A_122 = tpu.memref_slice %arg3[%add3A_117] : memref<640000xi32, #tpu.memory_space<hbm>> -> memref<80xi32, #tpu.memory_space<hbm>>
        %dma_start3A_123 = tpu.memref_slice %arg3[%add3A_117] : memref<640000xi32, #tpu.memory_space<hbm>> -> memref<80xi32, #tpu.memory_space<hbm>>
        tpu.enqueue_dma source(%dma_start3A_123 : memref<80xi32, #tpu.memory_space<hbm>>) target(%arg11 : memref<80xi32, #tpu.memory_space<vmem>>) target_semaphore(%run_scoped3A : memref<!tpu.dma_semaphore, #tpu.memory_space<semaphore_mem>>)
        %dma_wait3A_124 = tpu.memref_slice %arg3[%add3A_117] : memref<640000xi32, #tpu.memory_space<hbm>> -> memref<80xi32, #tpu.memory_space<hbm>>
        %dma_wait3A_125 = tpu.memref_slice %arg3[%add3A_117] : memref<640000xi32, #tpu.memory_space<hbm>> -> memref<80xi32, #tpu.memory_space<hbm>>
        tpu.wait_dma2 semaphore(%run_scoped3A : memref<!tpu.dma_semaphore, #tpu.memory_space<semaphore_mem>>) src(%dma_wait3A_125 : memref<80xi32, #tpu.memory_space<hbm>>) dst(%arg11 : memref<80xi32, #tpu.memory_space<vmem>>)
        tpu.yield
      }) : () -> ()
      %dma_start3A = arith.constant 0 : i32
      %dma_start3A_118 = arith.constant 0 : i32
      %dma_start3A_119 = tpu.memref_slice %arg4[%dma_start3A, %dma_start3A_118] : memref<10000x128xf32, #tpu.memory_space<hbm>> -> memref<10000x128xf32, #tpu.memory_space<hbm>>
      tpu.enqueue_indirect_dma source(%dma_start3A_119 : memref<10000x128xf32, #tpu.memory_space<hbm>>) target(%arg13 : memref<80x128xf32, #tpu.memory_space<vmem>>) offsets(%arg10 : memref<80xi32, #tpu.memory_space<vmem>>) semaphore(%arg15 : memref<!tpu.dma_semaphore, #tpu.memory_space<semaphore_mem>>)
      %dma_wait3A = arith.constant 0 : i32
      %dma_wait3A_120 = arith.constant 0 : i32
      %dma_wait3A_121 = tpu.memref_slice %arg4[%dma_wait3A, %dma_wait3A_120] : memref<10000x128xf32, #tpu.memory_space<hbm>> -> memref<10000x128xf32, #tpu.memory_space<hbm>>
      tpu.wait_indirect_dma semaphore(%arg15 : memref<!tpu.dma_semaphore, #tpu.memory_space<semaphore_mem>>) src(%dma_wait3A_121 : memref<10000x128xf32, #tpu.memory_space<hbm>>) dst(%arg13 : memref<80x128xf32, #tpu.memory_space<vmem>>)
      "tpu.region"() ({
        %run_scoped3A = tpu.sem_alloc : memref<!tpu.dma_semaphore, #tpu.memory_space<semaphore_mem>>
        %dma_start3A_122 = arith.constant 0 : i32
        %dma_start3A_123 = arith.constant 0 : i32
        %dma_start3A_124 = tpu.memref_slice %arg9[%dma_start3A_122, %dma_start3A_123] : memref<10000x128xf32, #tpu.memory_space<vmem_shared>> -> memref<10000x128xf32, #tpu.memory_space<vmem_shared>>
        tpu.enqueue_indirect_dma source(%arg13 : memref<80x128xf32, #tpu.memory_space<vmem>>) target(%dma_start3A_124 : memref<10000x128xf32, #tpu.memory_space<vmem_shared>>) offsets(%arg11 : memref<80xi32, #tpu.memory_space<vmem>>) semaphore(%run_scoped3A : memref<!tpu.dma_semaphore, #tpu.memory_space<semaphore_mem>>) {add = true}
        %dma_wait3A_125 = arith.constant 0 : i32
        %dma_wait3A_126 = arith.constant 0 : i32
        %dma_wait3A_127 = tpu.memref_slice %arg9[%dma_wait3A_125, %dma_wait3A_126] : memref<10000x128xf32, #tpu.memory_space<vmem_shared>> -> memref<10000x128xf32, #tpu.memory_space<vmem_shared>>
        tpu.wait_indirect_dma semaphore(%run_scoped3A : memref<!tpu.dma_semaphore, #tpu.memory_space<semaphore_mem>>) src(%arg13 : memref<80x128xf32, #tpu.memory_space<vmem>>) dst(%dma_wait3A_127 : memref<10000x128xf32, #tpu.memory_space<vmem_shared>>)
        tpu.yield
      }) : () -> ()
    }
    %scan3A_41 = arith.constant 250 : i32
    %barrier3A_42 = arith.constant 0 : index
    tpu.barrier barrier_id(%barrier3A_42)
    %mul3A_43 = arith.constant 624 : i32
    %mul3A_44 = arith.muli %arg1, %mul3A_43 : i32
    %mul3A_45 = arith.constant 624 : i32
    %mul3A_46 = arith.muli %arg1, %mul3A_45 : i32
    "tpu.region"() ({
      %run_scoped3A = tpu.sem_alloc : memref<!tpu.dma_semaphore, #tpu.memory_space<semaphore_mem>>
      %dma_start3A = arith.constant 0 : i32
      %dma_start3A_105 = tpu.memref_slice %arg7[%arg0, %mul3A_46, %dma_start3A] : memref<2x10000x128xf32, #tpu.memory_space<hbm>> -> memref<1x624x128xf32, #tpu.memory_space<hbm>>
      %dma_start3A_106 = tpu.memref_squeeze %dma_start3A_105 : memref<1x624x128xf32, #tpu.memory_space<hbm>> -> memref<624x128xf32, #tpu.memory_space<hbm>>
      %dma_start3A_107 = arith.constant 0 : i32
      %dma_start3A_108 = tpu.memref_slice %arg9[%mul3A_44, %dma_start3A_107] : memref<10000x128xf32, #tpu.memory_space<vmem_shared>> -> memref<624x128xf32, #tpu.memory_space<vmem_shared>>
      tpu.enqueue_dma source(%dma_start3A_108 : memref<624x128xf32, #tpu.memory_space<vmem_shared>>) target(%dma_start3A_106 : memref<624x128xf32, #tpu.memory_space<hbm>>) target_semaphore(%run_scoped3A : memref<!tpu.dma_semaphore, #tpu.memory_space<semaphore_mem>>)
      %dma_wait3A = arith.constant 0 : i32
      %dma_wait3A_109 = tpu.memref_slice %arg7[%arg0, %mul3A_46, %dma_wait3A] : memref<2x10000x128xf32, #tpu.memory_space<hbm>> -> memref<1x624x128xf32, #tpu.memory_space<hbm>>
      %dma_wait3A_110 = tpu.memref_squeeze %dma_wait3A_109 : memref<1x624x128xf32, #tpu.memory_space<hbm>> -> memref<624x128xf32, #tpu.memory_space<hbm>>
      %dma_wait3A_111 = arith.constant 0 : i32
      %dma_wait3A_112 = tpu.memref_slice %arg9[%mul3A_44, %dma_wait3A_111] : memref<10000x128xf32, #tpu.memory_space<vmem_shared>> -> memref<624x128xf32, #tpu.memory_space<vmem_shared>>
      tpu.wait_dma2 semaphore(%run_scoped3A : memref<!tpu.dma_semaphore, #tpu.memory_space<semaphore_mem>>) src(%dma_wait3A_112 : memref<624x128xf32, #tpu.memory_space<vmem_shared>>) dst(%dma_wait3A_110 : memref<624x128xf32, #tpu.memory_space<hbm>>)
      tpu.yield
    }) : () -> ()
    %eq3A_47 = arith.constant 15 : i32
    %eq3A_48 = arith.cmpi eq, %arg1, %eq3A_47 : i32
    %convert_element_type3A_49 = arith.extui %eq3A_48 : i1 to i32
    %cond3A_50 = arith.constant 0 : i32
    %cond3A_51 = arith.cmpi ne, %convert_element_type3A_49, %cond3A_50 : i32
    scf.if %cond3A_51 {
      "tpu.region"() ({
        %run_scoped3A = tpu.sem_alloc : memref<!tpu.dma_semaphore, #tpu.memory_space<semaphore_mem>>
        %dma_start3A = arith.constant 9984 : i32
        %dma_start3A_105 = arith.constant 0 : i32
        %dma_start3A_106 = tpu.memref_slice %arg7[%arg0, %dma_start3A, %dma_start3A_105] : memref<2x10000x128xf32, #tpu.memory_space<hbm>> -> memref<1x16x128xf32, #tpu.memory_space<hbm>>
        %dma_start3A_107 = tpu.memref_squeeze %dma_start3A_106 : memref<1x16x128xf32, #tpu.memory_space<hbm>> -> memref<16x128xf32, #tpu.memory_space<hbm>>
        %dma_start3A_108 = arith.constant 9984 : i32
        %dma_start3A_109 = arith.constant 0 : i32
        %dma_start3A_110 = tpu.memref_slice %arg9[%dma_start3A_108, %dma_start3A_109] : memref<10000x128xf32, #tpu.memory_space<vmem_shared>> -> memref<16x128xf32, #tpu.memory_space<vmem_shared>>
        tpu.enqueue_dma source(%dma_start3A_110 : memref<16x128xf32, #tpu.memory_space<vmem_shared>>) target(%dma_start3A_107 : memref<16x128xf32, #tpu.memory_space<hbm>>) target_semaphore(%run_scoped3A : memref<!tpu.dma_semaphore, #tpu.memory_space<semaphore_mem>>)
        %dma_wait3A = arith.constant 9984 : i32
        %dma_wait3A_111 = arith.constant 0 : i32
        %dma_wait3A_112 = tpu.memref_slice %arg7[%arg0, %dma_wait3A, %dma_wait3A_111] : memref<2x10000x128xf32, #tpu.memory_space<hbm>> -> memref<1x16x128xf32, #tpu.memory_space<hbm>>
        %dma_wait3A_113 = tpu.memref_squeeze %dma_wait3A_112 : memref<1x16x128xf32, #tpu.memory_space<hbm>> -> memref<16x128xf32, #tpu.memory_space<hbm>>
        %dma_wait3A_114 = arith.constant 9984 : i32
        %dma_wait3A_115 = arith.constant 0 : i32
        %dma_wait3A_116 = tpu.memref_slice %arg9[%dma_wait3A_114, %dma_wait3A_115] : memref<10000x128xf32, #tpu.memory_space<vmem_shared>> -> memref<16x128xf32, #tpu.memory_space<vmem_shared>>
        tpu.wait_dma2 semaphore(%run_scoped3A : memref<!tpu.dma_semaphore, #tpu.memory_space<semaphore_mem>>) src(%dma_wait3A_116 : memref<16x128xf32, #tpu.memory_space<vmem_shared>>) dst(%dma_wait3A_113 : memref<16x128xf32, #tpu.memory_space<hbm>>)
        tpu.yield
      }) : () -> ()
    } else {
    }
    %mul3A_52 = arith.constant 624 : i32
    %mul3A_53 = arith.muli %arg1, %mul3A_52 : i32
    %add3A_54 = arith.constant 0 : i32
    %add3A_55 = arith.addi %mul3A_53, %add3A_54 : i32
    "tpu.region"() ({
      %run_scoped3A = tpu.sem_alloc : memref<!tpu.dma_semaphore, #tpu.memory_space<semaphore_mem>>
      %dma_start3A = arith.constant 0 : i32
      %dma_start3A_105 = tpu.memref_slice %arg9[%add3A_55, %dma_start3A] : memref<10000x128xf32, #tpu.memory_space<vmem_shared>> -> memref<80x128xf32, #tpu.memory_space<vmem_shared>>
      %dma_start3A_106 = arith.constant 0 : i32
      %dma_start3A_107 = tpu.memref_slice %arg9[%add3A_55, %dma_start3A_106] : memref<10000x128xf32, #tpu.memory_space<vmem_shared>> -> memref<80x128xf32, #tpu.memory_space<vmem_shared>>
      tpu.enqueue_dma source(%arg14 : memref<80x128xf32, #tpu.memory_space<vmem>>) target(%dma_start3A_107 : memref<80x128xf32, #tpu.memory_space<vmem_shared>>) target_semaphore(%run_scoped3A : memref<!tpu.dma_semaphore, #tpu.memory_space<semaphore_mem>>)
      %dma_wait3A = arith.constant 0 : i32
      %dma_wait3A_108 = tpu.memref_slice %arg9[%add3A_55, %dma_wait3A] : memref<10000x128xf32, #tpu.memory_space<vmem_shared>> -> memref<80x128xf32, #tpu.memory_space<vmem_shared>>
      %dma_wait3A_109 = arith.constant 0 : i32
      %dma_wait3A_110 = tpu.memref_slice %arg9[%add3A_55, %dma_wait3A_109] : memref<10000x128xf32, #tpu.memory_space<vmem_shared>> -> memref<80x128xf32, #tpu.memory_space<vmem_shared>>
      tpu.wait_dma2 semaphore(%run_scoped3A : memref<!tpu.dma_semaphore, #tpu.memory_space<semaphore_mem>>) src(%arg14 : memref<80x128xf32, #tpu.memory_space<vmem>>) dst(%dma_wait3A_110 : memref<80x128xf32, #tpu.memory_space<vmem_shared>>)
      tpu.yield
    }) : () -> ()
    %mul3A_56 = arith.constant 624 : i32
    %mul3A_57 = arith.muli %arg1, %mul3A_56 : i32
    %add3A_58 = arith.constant 80 : i32
    %add3A_59 = arith.addi %mul3A_57, %add3A_58 : i32
    "tpu.region"() ({
      %run_scoped3A = tpu.sem_alloc : memref<!tpu.dma_semaphore, #tpu.memory_space<semaphore_mem>>
      %dma_start3A = arith.constant 0 : i32
      %dma_start3A_105 = tpu.memref_slice %arg9[%add3A_59, %dma_start3A] : memref<10000x128xf32, #tpu.memory_space<vmem_shared>> -> memref<80x128xf32, #tpu.memory_space<vmem_shared>>
      %dma_start3A_106 = arith.constant 0 : i32
      %dma_start3A_107 = tpu.memref_slice %arg9[%add3A_59, %dma_start3A_106] : memref<10000x128xf32, #tpu.memory_space<vmem_shared>> -> memref<80x128xf32, #tpu.memory_space<vmem_shared>>
      tpu.enqueue_dma source(%arg14 : memref<80x128xf32, #tpu.memory_space<vmem>>) target(%dma_start3A_107 : memref<80x128xf32, #tpu.memory_space<vmem_shared>>) target_semaphore(%run_scoped3A : memref<!tpu.dma_semaphore, #tpu.memory_space<semaphore_mem>>)
      %dma_wait3A = arith.constant 0 : i32
      %dma_wait3A_108 = tpu.memref_slice %arg9[%add3A_59, %dma_wait3A] : memref<10000x128xf32, #tpu.memory_space<vmem_shared>> -> memref<80x128xf32, #tpu.memory_space<vmem_shared>>
      %dma_wait3A_109 = arith.constant 0 : i32
      %dma_wait3A_110 = tpu.memref_slice %arg9[%add3A_59, %dma_wait3A_109] : memref<10000x128xf32, #tpu.memory_space<vmem_shared>> -> memref<80x128xf32, #tpu.memory_space<vmem_shared>>
      tpu.wait_dma2 semaphore(%run_scoped3A : memref<!tpu.dma_semaphore, #tpu.memory_space<semaphore_mem>>) src(%arg14 : memref<80x128xf32, #tpu.memory_space<vmem>>) dst(%dma_wait3A_110 : memref<80x128xf32, #tpu.memory_space<vmem_shared>>)
      tpu.yield
    }) : () -> ()
    %mul3A_60 = arith.constant 624 : i32
    %mul3A_61 = arith.muli %arg1, %mul3A_60 : i32
    %add3A_62 = arith.constant 160 : i32
    %add3A_63 = arith.addi %mul3A_61, %add3A_62 : i32
    "tpu.region"() ({
      %run_scoped3A = tpu.sem_alloc : memref<!tpu.dma_semaphore, #tpu.memory_space<semaphore_mem>>
      %dma_start3A = arith.constant 0 : i32
      %dma_start3A_105 = tpu.memref_slice %arg9[%add3A_63, %dma_start3A] : memref<10000x128xf32, #tpu.memory_space<vmem_shared>> -> memref<80x128xf32, #tpu.memory_space<vmem_shared>>
      %dma_start3A_106 = arith.constant 0 : i32
      %dma_start3A_107 = tpu.memref_slice %arg9[%add3A_63, %dma_start3A_106] : memref<10000x128xf32, #tpu.memory_space<vmem_shared>> -> memref<80x128xf32, #tpu.memory_space<vmem_shared>>
      tpu.enqueue_dma source(%arg14 : memref<80x128xf32, #tpu.memory_space<vmem>>) target(%dma_start3A_107 : memref<80x128xf32, #tpu.memory_space<vmem_shared>>) target_semaphore(%run_scoped3A : memref<!tpu.dma_semaphore, #tpu.memory_space<semaphore_mem>>)
      %dma_wait3A = arith.constant 0 : i32
      %dma_wait3A_108 = tpu.memref_slice %arg9[%add3A_63, %dma_wait3A] : memref<10000x128xf32, #tpu.memory_space<vmem_shared>> -> memref<80x128xf32, #tpu.memory_space<vmem_shared>>
      %dma_wait3A_109 = arith.constant 0 : i32
      %dma_wait3A_110 = tpu.memref_slice %arg9[%add3A_63, %dma_wait3A_109] : memref<10000x128xf32, #tpu.memory_space<vmem_shared>> -> memref<80x128xf32, #tpu.memory_space<vmem_shared>>
      tpu.wait_dma2 semaphore(%run_scoped3A : memref<!tpu.dma_semaphore, #tpu.memory_space<semaphore_mem>>) src(%arg14 : memref<80x128xf32, #tpu.memory_space<vmem>>) dst(%dma_wait3A_110 : memref<80x128xf32, #tpu.memory_space<vmem_shared>>)
      tpu.yield
    }) : () -> ()
    %mul3A_64 = arith.constant 624 : i32
    %mul3A_65 = arith.muli %arg1, %mul3A_64 : i32
    %add3A_66 = arith.constant 240 : i32
    %add3A_67 = arith.addi %mul3A_65, %add3A_66 : i32
    "tpu.region"() ({
      %run_scoped3A = tpu.sem_alloc : memref<!tpu.dma_semaphore, #tpu.memory_space<semaphore_mem>>
      %dma_start3A = arith.constant 0 : i32
      %dma_start3A_105 = tpu.memref_slice %arg9[%add3A_67, %dma_start3A] : memref<10000x128xf32, #tpu.memory_space<vmem_shared>> -> memref<80x128xf32, #tpu.memory_space<vmem_shared>>
      %dma_start3A_106 = arith.constant 0 : i32
      %dma_start3A_107 = tpu.memref_slice %arg9[%add3A_67, %dma_start3A_106] : memref<10000x128xf32, #tpu.memory_space<vmem_shared>> -> memref<80x128xf32, #tpu.memory_space<vmem_shared>>
      tpu.enqueue_dma source(%arg14 : memref<80x128xf32, #tpu.memory_space<vmem>>) target(%dma_start3A_107 : memref<80x128xf32, #tpu.memory_space<vmem_shared>>) target_semaphore(%run_scoped3A : memref<!tpu.dma_semaphore, #tpu.memory_space<semaphore_mem>>)
      %dma_wait3A = arith.constant 0 : i32
      %dma_wait3A_108 = tpu.memref_slice %arg9[%add3A_67, %dma_wait3A] : memref<10000x128xf32, #tpu.memory_space<vmem_shared>> -> memref<80x128xf32, #tpu.memory_space<vmem_shared>>
      %dma_wait3A_109 = arith.constant 0 : i32
      %dma_wait3A_110 = tpu.memref_slice %arg9[%add3A_67, %dma_wait3A_109] : memref<10000x128xf32, #tpu.memory_space<vmem_shared>> -> memref<80x128xf32, #tpu.memory_space<vmem_shared>>
      tpu.wait_dma2 semaphore(%run_scoped3A : memref<!tpu.dma_semaphore, #tpu.memory_space<semaphore_mem>>) src(%arg14 : memref<80x128xf32, #tpu.memory_space<vmem>>) dst(%dma_wait3A_110 : memref<80x128xf32, #tpu.memory_space<vmem_shared>>)
      tpu.yield
    }) : () -> ()
    %mul3A_68 = arith.constant 624 : i32
    %mul3A_69 = arith.muli %arg1, %mul3A_68 : i32
    %add3A_70 = arith.constant 320 : i32
    %add3A_71 = arith.addi %mul3A_69, %add3A_70 : i32
    "tpu.region"() ({
      %run_scoped3A = tpu.sem_alloc : memref<!tpu.dma_semaphore, #tpu.memory_space<semaphore_mem>>
      %dma_start3A = arith.constant 0 : i32
      %dma_start3A_105 = tpu.memref_slice %arg9[%add3A_71, %dma_start3A] : memref<10000x128xf32, #tpu.memory_space<vmem_shared>> -> memref<80x128xf32, #tpu.memory_space<vmem_shared>>
      %dma_start3A_106 = arith.constant 0 : i32
      %dma_start3A_107 = tpu.memref_slice %arg9[%add3A_71, %dma_start3A_106] : memref<10000x128xf32, #tpu.memory_space<vmem_shared>> -> memref<80x128xf32, #tpu.memory_space<vmem_shared>>
      tpu.enqueue_dma source(%arg14 : memref<80x128xf32, #tpu.memory_space<vmem>>) target(%dma_start3A_107 : memref<80x128xf32, #tpu.memory_space<vmem_shared>>) target_semaphore(%run_scoped3A : memref<!tpu.dma_semaphore, #tpu.memory_space<semaphore_mem>>)
      %dma_wait3A = arith.constant 0 : i32
      %dma_wait3A_108 = tpu.memref_slice %arg9[%add3A_71, %dma_wait3A] : memref<10000x128xf32, #tpu.memory_space<vmem_shared>> -> memref<80x128xf32, #tpu.memory_space<vmem_shared>>
      %dma_wait3A_109 = arith.constant 0 : i32
      %dma_wait3A_110 = tpu.memref_slice %arg9[%add3A_71, %dma_wait3A_109] : memref<10000x128xf32, #tpu.memory_space<vmem_shared>> -> memref<80x128xf32, #tpu.memory_space<vmem_shared>>
      tpu.wait_dma2 semaphore(%run_scoped3A : memref<!tpu.dma_semaphore, #tpu.memory_space<semaphore_mem>>) src(%arg14 : memref<80x128xf32, #tpu.memory_space<vmem>>) dst(%dma_wait3A_110 : memref<80x128xf32, #tpu.memory_space<vmem_shared>>)
      tpu.yield
    }) : () -> ()
    %mul3A_72 = arith.constant 624 : i32
    %mul3A_73 = arith.muli %arg1, %mul3A_72 : i32
    %add3A_74 = arith.constant 400 : i32
    %add3A_75 = arith.addi %mul3A_73, %add3A_74 : i32
    "tpu.region"() ({
      %run_scoped3A = tpu.sem_alloc : memref<!tpu.dma_semaphore, #tpu.memory_space<semaphore_mem>>
      %dma_start3A = arith.constant 0 : i32
      %dma_start3A_105 = tpu.memref_slice %arg9[%add3A_75, %dma_start3A] : memref<10000x128xf32, #tpu.memory_space<vmem_shared>> -> memref<80x128xf32, #tpu.memory_space<vmem_shared>>
      %dma_start3A_106 = arith.constant 0 : i32
      %dma_start3A_107 = tpu.memref_slice %arg9[%add3A_75, %dma_start3A_106] : memref<10000x128xf32, #tpu.memory_space<vmem_shared>> -> memref<80x128xf32, #tpu.memory_space<vmem_shared>>
      tpu.enqueue_dma source(%arg14 : memref<80x128xf32, #tpu.memory_space<vmem>>) target(%dma_start3A_107 : memref<80x128xf32, #tpu.memory_space<vmem_shared>>) target_semaphore(%run_scoped3A : memref<!tpu.dma_semaphore, #tpu.memory_space<semaphore_mem>>)
      %dma_wait3A = arith.constant 0 : i32
      %dma_wait3A_108 = tpu.memref_slice %arg9[%add3A_75, %dma_wait3A] : memref<10000x128xf32, #tpu.memory_space<vmem_shared>> -> memref<80x128xf32, #tpu.memory_space<vmem_shared>>
      %dma_wait3A_109 = arith.constant 0 : i32
      %dma_wait3A_110 = tpu.memref_slice %arg9[%add3A_75, %dma_wait3A_109] : memref<10000x128xf32, #tpu.memory_space<vmem_shared>> -> memref<80x128xf32, #tpu.memory_space<vmem_shared>>
      tpu.wait_dma2 semaphore(%run_scoped3A : memref<!tpu.dma_semaphore, #tpu.memory_space<semaphore_mem>>) src(%arg14 : memref<80x128xf32, #tpu.memory_space<vmem>>) dst(%dma_wait3A_110 : memref<80x128xf32, #tpu.memory_space<vmem_shared>>)
      tpu.yield
    }) : () -> ()
    %mul3A_76 = arith.constant 624 : i32
    %mul3A_77 = arith.muli %arg1, %mul3A_76 : i32
    %add3A_78 = arith.constant 480 : i32
    %add3A_79 = arith.addi %mul3A_77, %add3A_78 : i32
    "tpu.region"() ({
      %run_scoped3A = tpu.sem_alloc : memref<!tpu.dma_semaphore, #tpu.memory_space<semaphore_mem>>
      %dma_start3A = arith.constant 0 : i32
      %dma_start3A_105 = tpu.memref_slice %arg9[%add3A_79, %dma_start3A] : memref<10000x128xf32, #tpu.memory_space<vmem_shared>> -> memref<80x128xf32, #tpu.memory_space<vmem_shared>>
      %dma_start3A_106 = arith.constant 0 : i32
      %dma_start3A_107 = tpu.memref_slice %arg9[%add3A_79, %dma_start3A_106] : memref<10000x128xf32, #tpu.memory_space<vmem_shared>> -> memref<80x128xf32, #tpu.memory_space<vmem_shared>>
      tpu.enqueue_dma source(%arg14 : memref<80x128xf32, #tpu.memory_space<vmem>>) target(%dma_start3A_107 : memref<80x128xf32, #tpu.memory_space<vmem_shared>>) target_semaphore(%run_scoped3A : memref<!tpu.dma_semaphore, #tpu.memory_space<semaphore_mem>>)
      %dma_wait3A = arith.constant 0 : i32
      %dma_wait3A_108 = tpu.memref_slice %arg9[%add3A_79, %dma_wait3A] : memref<10000x128xf32, #tpu.memory_space<vmem_shared>> -> memref<80x128xf32, #tpu.memory_space<vmem_shared>>
      %dma_wait3A_109 = arith.constant 0 : i32
      %dma_wait3A_110 = tpu.memref_slice %arg9[%add3A_79, %dma_wait3A_109] : memref<10000x128xf32, #tpu.memory_space<vmem_shared>> -> memref<80x128xf32, #tpu.memory_space<vmem_shared>>
      tpu.wait_dma2 semaphore(%run_scoped3A : memref<!tpu.dma_semaphore, #tpu.memory_space<semaphore_mem>>) src(%arg14 : memref<80x128xf32, #tpu.memory_space<vmem>>) dst(%dma_wait3A_110 : memref<80x128xf32, #tpu.memory_space<vmem_shared>>)
      tpu.yield
    }) : () -> ()
    %mul3A_80 = arith.constant 624 : i32
    %mul3A_81 = arith.muli %arg1, %mul3A_80 : i32
    %add3A_82 = arith.constant 560 : i32
    %add3A_83 = arith.addi %mul3A_81, %add3A_82 : i32
    "tpu.region"() ({
      %run_scoped3A = tpu.sem_alloc : memref<!tpu.dma_semaphore, #tpu.memory_space<semaphore_mem>>
      %dma_start3A = arith.constant 0 : i32
      %dma_start3A_105 = arith.constant 0 : i32
      %dma_start3A_106 = tpu.memref_slice %arg14[%dma_start3A, %dma_start3A_105] : memref<80x128xf32, #tpu.memory_space<vmem>> -> memref<64x128xf32, #tpu.memory_space<vmem>>
      %dma_start3A_107 = arith.constant 0 : i32
      %dma_start3A_108 = tpu.memref_slice %arg9[%add3A_83, %dma_start3A_107] : memref<10000x128xf32, #tpu.memory_space<vmem_shared>> -> memref<64x128xf32, #tpu.memory_space<vmem_shared>>
      %dma_start3A_109 = arith.constant 0 : i32
      %dma_start3A_110 = tpu.memref_slice %arg9[%add3A_83, %dma_start3A_109] : memref<10000x128xf32, #tpu.memory_space<vmem_shared>> -> memref<64x128xf32, #tpu.memory_space<vmem_shared>>
      %dma_start3A_111 = arith.constant 0 : i32
      %dma_start3A_112 = arith.constant 0 : i32
      %dma_start3A_113 = tpu.memref_slice %arg14[%dma_start3A_111, %dma_start3A_112] : memref<80x128xf32, #tpu.memory_space<vmem>> -> memref<64x128xf32, #tpu.memory_space<vmem>>
      tpu.enqueue_dma source(%dma_start3A_113 : memref<64x128xf32, #tpu.memory_space<vmem>>) target(%dma_start3A_110 : memref<64x128xf32, #tpu.memory_space<vmem_shared>>) target_semaphore(%run_scoped3A : memref<!tpu.dma_semaphore, #tpu.memory_space<semaphore_mem>>)
      %dma_wait3A = arith.constant 0 : i32
      %dma_wait3A_114 = arith.constant 0 : i32
      %dma_wait3A_115 = tpu.memref_slice %arg14[%dma_wait3A, %dma_wait3A_114] : memref<80x128xf32, #tpu.memory_space<vmem>> -> memref<64x128xf32, #tpu.memory_space<vmem>>
      %dma_wait3A_116 = arith.constant 0 : i32
      %dma_wait3A_117 = tpu.memref_slice %arg9[%add3A_83, %dma_wait3A_116] : memref<10000x128xf32, #tpu.memory_space<vmem_shared>> -> memref<64x128xf32, #tpu.memory_space<vmem_shared>>
      %dma_wait3A_118 = arith.constant 0 : i32
      %dma_wait3A_119 = tpu.memref_slice %arg9[%add3A_83, %dma_wait3A_118] : memref<10000x128xf32, #tpu.memory_space<vmem_shared>> -> memref<64x128xf32, #tpu.memory_space<vmem_shared>>
      %dma_wait3A_120 = arith.constant 0 : i32
      %dma_wait3A_121 = arith.constant 0 : i32
      %dma_wait3A_122 = tpu.memref_slice %arg14[%dma_wait3A_120, %dma_wait3A_121] : memref<80x128xf32, #tpu.memory_space<vmem>> -> memref<64x128xf32, #tpu.memory_space<vmem>>
      tpu.wait_dma2 semaphore(%run_scoped3A : memref<!tpu.dma_semaphore, #tpu.memory_space<semaphore_mem>>) src(%dma_wait3A_122 : memref<64x128xf32, #tpu.memory_space<vmem>>) dst(%dma_wait3A_119 : memref<64x128xf32, #tpu.memory_space<vmem_shared>>)
      tpu.yield
    }) : () -> ()
    %eq3A_84 = arith.constant 15 : i32
    %eq3A_85 = arith.cmpi eq, %arg1, %eq3A_84 : i32
    %convert_element_type3A_86 = arith.extui %eq3A_85 : i1 to i32
    %cond3A_87 = arith.constant 0 : i32
    %cond3A_88 = arith.cmpi ne, %convert_element_type3A_86, %cond3A_87 : i32
    scf.if %cond3A_88 {
      "tpu.region"() ({
        %run_scoped3A = tpu.sem_alloc : memref<!tpu.dma_semaphore, #tpu.memory_space<semaphore_mem>>
        %dma_start3A = arith.constant 0 : i32
        %dma_start3A_105 = arith.constant 0 : i32
        %dma_start3A_106 = tpu.memref_slice %arg14[%dma_start3A, %dma_start3A_105] : memref<80x128xf32, #tpu.memory_space<vmem>> -> memref<16x128xf32, #tpu.memory_space<vmem>>
        %dma_start3A_107 = arith.constant 9984 : i32
        %dma_start3A_108 = arith.constant 0 : i32
        %dma_start3A_109 = tpu.memref_slice %arg9[%dma_start3A_107, %dma_start3A_108] : memref<10000x128xf32, #tpu.memory_space<vmem_shared>> -> memref<16x128xf32, #tpu.memory_space<vmem_shared>>
        %dma_start3A_110 = arith.constant 9984 : i32
        %dma_start3A_111 = arith.constant 0 : i32
        %dma_start3A_112 = tpu.memref_slice %arg9[%dma_start3A_110, %dma_start3A_111] : memref<10000x128xf32, #tpu.memory_space<vmem_shared>> -> memref<16x128xf32, #tpu.memory_space<vmem_shared>>
        %dma_start3A_113 = arith.constant 0 : i32
        %dma_start3A_114 = arith.constant 0 : i32
        %dma_start3A_115 = tpu.memref_slice %arg14[%dma_start3A_113, %dma_start3A_114] : memref<80x128xf32, #tpu.memory_space<vmem>> -> memref<16x128xf32, #tpu.memory_space<vmem>>
        tpu.enqueue_dma source(%dma_start3A_115 : memref<16x128xf32, #tpu.memory_space<vmem>>) target(%dma_start3A_112 : memref<16x128xf32, #tpu.memory_space<vmem_shared>>) target_semaphore(%run_scoped3A : memref<!tpu.dma_semaphore, #tpu.memory_space<semaphore_mem>>)
        %dma_wait3A = arith.constant 0 : i32
        %dma_wait3A_116 = arith.constant 0 : i32
        %dma_wait3A_117 = tpu.memref_slice %arg14[%dma_wait3A, %dma_wait3A_116] : memref<80x128xf32, #tpu.memory_space<vmem>> -> memref<16x128xf32, #tpu.memory_space<vmem>>
        %dma_wait3A_118 = arith.constant 9984 : i32
        %dma_wait3A_119 = arith.constant 0 : i32
        %dma_wait3A_120 = tpu.memref_slice %arg9[%dma_wait3A_118, %dma_wait3A_119] : memref<10000x128xf32, #tpu.memory_space<vmem_shared>> -> memref<16x128xf32, #tpu.memory_space<vmem_shared>>
        %dma_wait3A_121 = arith.constant 9984 : i32
        %dma_wait3A_122 = arith.constant 0 : i32
        %dma_wait3A_123 = tpu.memref_slice %arg9[%dma_wait3A_121, %dma_wait3A_122] : memref<10000x128xf32, #tpu.memory_space<vmem_shared>> -> memref<16x128xf32, #tpu.memory_space<vmem_shared>>
        %dma_wait3A_124 = arith.constant 0 : i32
        %dma_wait3A_125 = arith.constant 0 : i32
        %dma_wait3A_126 = tpu.memref_slice %arg14[%dma_wait3A_124, %dma_wait3A_125] : memref<80x128xf32, #tpu.memory_space<vmem>> -> memref<16x128xf32, #tpu.memory_space<vmem>>
        tpu.wait_dma2 semaphore(%run_scoped3A : memref<!tpu.dma_semaphore, #tpu.memory_space<semaphore_mem>>) src(%dma_wait3A_126 : memref<16x128xf32, #tpu.memory_space<vmem>>) dst(%dma_wait3A_123 : memref<16x128xf32, #tpu.memory_space<vmem_shared>>)
        tpu.yield
      }) : () -> ()
    } else {
    }
    %barrier3A_89 = arith.constant 0 : index
    tpu.barrier barrier_id(%barrier3A_89)
    %scan3A_90 = arith.constant 0 : i32
    %scan3A_91 = arith.constant 250 : i32
    %scan3A_92 = arith.addi %scan3A_90, %scan3A_91 : i32
    %scan3A_93 = arith.constant 1 : i32
    scf.for %scan3A_105 = %scan3A_90 to %scan3A_92 step %scan3A_93  : i32 {
      %mul3A_106 = arith.constant 1 : i32
      %mul3A_107 = arith.muli %scan3A_105, %mul3A_106 : i32
      %add3A_108 = arith.constant 0 : i32
      %add3A_109 = arith.addi %add3A_108, %mul3A_107 : i32
      %mul3A_110 = arith.constant 320000 : i32
      %mul3A_111 = arith.muli %arg0, %mul3A_110 : i32
      %mul3A_112 = arith.constant 20000 : i32
      %mul3A_113 = arith.muli %arg1, %mul3A_112 : i32
      %add3A_114 = arith.addi %mul3A_111, %mul3A_113 : i32
      %mul3A_115 = arith.constant 80 : i32
      %mul3A_116 = arith.muli %add3A_109, %mul3A_115 : i32
      %add3A_117 = arith.addi %add3A_114, %mul3A_116 : i32
      "tpu.region"() ({
        %run_scoped3A = tpu.sem_alloc : memref<!tpu.dma_semaphore, #tpu.memory_space<semaphore_mem>>
        %dma_start3A_133 = tpu.memref_slice %arg2[%add3A_117] : memref<640000xi32, #tpu.memory_space<hbm>> -> memref<80xi32, #tpu.memory_space<hbm>>
        %dma_start3A_134 = tpu.memref_slice %arg2[%add3A_117] : memref<640000xi32, #tpu.memory_space<hbm>> -> memref<80xi32, #tpu.memory_space<hbm>>
        tpu.enqueue_dma source(%dma_start3A_134 : memref<80xi32, #tpu.memory_space<hbm>>) target(%arg10 : memref<80xi32, #tpu.memory_space<vmem>>) target_semaphore(%run_scoped3A : memref<!tpu.dma_semaphore, #tpu.memory_space<semaphore_mem>>)
        %dma_wait3A_135 = tpu.memref_slice %arg2[%add3A_117] : memref<640000xi32, #tpu.memory_space<hbm>> -> memref<80xi32, #tpu.memory_space<hbm>>
        %dma_wait3A_136 = tpu.memref_slice %arg2[%add3A_117] : memref<640000xi32, #tpu.memory_space<hbm>> -> memref<80xi32, #tpu.memory_space<hbm>>
        tpu.wait_dma2 semaphore(%run_scoped3A : memref<!tpu.dma_semaphore, #tpu.memory_space<semaphore_mem>>) src(%dma_wait3A_136 : memref<80xi32, #tpu.memory_space<hbm>>) dst(%arg10 : memref<80xi32, #tpu.memory_space<vmem>>)
        tpu.yield
      }) : () -> ()
      "tpu.region"() ({
        %run_scoped3A = tpu.sem_alloc : memref<!tpu.dma_semaphore, #tpu.memory_space<semaphore_mem>>
        %dma_start3A_133 = tpu.memref_slice %arg3[%add3A_117] : memref<640000xi32, #tpu.memory_space<hbm>> -> memref<80xi32, #tpu.memory_space<hbm>>
        %dma_start3A_134 = tpu.memref_slice %arg3[%add3A_117] : memref<640000xi32, #tpu.memory_space<hbm>> -> memref<80xi32, #tpu.memory_space<hbm>>
        tpu.enqueue_dma source(%dma_start3A_134 : memref<80xi32, #tpu.memory_space<hbm>>) target(%arg11 : memref<80xi32, #tpu.memory_space<vmem>>) target_semaphore(%run_scoped3A : memref<!tpu.dma_semaphore, #tpu.memory_space<semaphore_mem>>)
        %dma_wait3A_135 = tpu.memref_slice %arg3[%add3A_117] : memref<640000xi32, #tpu.memory_space<hbm>> -> memref<80xi32, #tpu.memory_space<hbm>>
        %dma_wait3A_136 = tpu.memref_slice %arg3[%add3A_117] : memref<640000xi32, #tpu.memory_space<hbm>> -> memref<80xi32, #tpu.memory_space<hbm>>
        tpu.wait_dma2 semaphore(%run_scoped3A : memref<!tpu.dma_semaphore, #tpu.memory_space<semaphore_mem>>) src(%dma_wait3A_136 : memref<80xi32, #tpu.memory_space<hbm>>) dst(%arg11 : memref<80xi32, #tpu.memory_space<vmem>>)
        tpu.yield
      }) : () -> ()
      %dma_start3A = arith.constant 0 : i32
      %dma_start3A_118 = arith.constant 0 : i32
      %dma_start3A_119 = tpu.memref_slice %arg5[%dma_start3A, %dma_start3A_118] : memref<10000x256xf32, #tpu.memory_space<hbm>> -> memref<10000x256xf32, #tpu.memory_space<hbm>>
      tpu.enqueue_indirect_dma source(%dma_start3A_119 : memref<10000x256xf32, #tpu.memory_space<hbm>>) target(%arg12 : memref<80x256xf32, #tpu.memory_space<vmem>>) offsets(%arg10 : memref<80xi32, #tpu.memory_space<vmem>>) semaphore(%arg15 : memref<!tpu.dma_semaphore, #tpu.memory_space<semaphore_mem>>)
      %dma_wait3A = arith.constant 0 : i32
      %dma_wait3A_120 = arith.constant 0 : i32
      %dma_wait3A_121 = tpu.memref_slice %arg5[%dma_wait3A, %dma_wait3A_120] : memref<10000x256xf32, #tpu.memory_space<hbm>> -> memref<10000x256xf32, #tpu.memory_space<hbm>>
      tpu.wait_indirect_dma semaphore(%arg15 : memref<!tpu.dma_semaphore, #tpu.memory_space<semaphore_mem>>) src(%dma_wait3A_121 : memref<10000x256xf32, #tpu.memory_space<hbm>>) dst(%arg12 : memref<80x256xf32, #tpu.memory_space<vmem>>)
      %dma_start3A_122 = arith.constant 0 : i32
      %dma_start3A_123 = arith.constant 0 : i32
      %dma_start3A_124 = tpu.memref_slice %arg6[%dma_start3A_122, %dma_start3A_123] : memref<10000x128xf32, #tpu.memory_space<hbm>> -> memref<10000x128xf32, #tpu.memory_space<hbm>>
      tpu.enqueue_indirect_dma source(%dma_start3A_124 : memref<10000x128xf32, #tpu.memory_space<hbm>>) target(%arg13 : memref<80x128xf32, #tpu.memory_space<vmem>>) offsets(%arg11 : memref<80xi32, #tpu.memory_space<vmem>>) semaphore(%arg15 : memref<!tpu.dma_semaphore, #tpu.memory_space<semaphore_mem>>)
      %dma_wait3A_125 = arith.constant 0 : i32
      %dma_wait3A_126 = arith.constant 0 : i32
      %dma_wait3A_127 = tpu.memref_slice %arg6[%dma_wait3A_125, %dma_wait3A_126] : memref<10000x128xf32, #tpu.memory_space<hbm>> -> memref<10000x128xf32, #tpu.memory_space<hbm>>
      tpu.wait_indirect_dma semaphore(%arg15 : memref<!tpu.dma_semaphore, #tpu.memory_space<semaphore_mem>>) src(%dma_wait3A_127 : memref<10000x128xf32, #tpu.memory_space<hbm>>) dst(%arg13 : memref<80x128xf32, #tpu.memory_space<vmem>>)
      %scan3A_128 = arith.constant 0 : i32
      %scan3A_129 = arith.constant 80 : i32
      %scan3A_130 = arith.addi %scan3A_128, %scan3A_129 : i32
      %scan3A_131 = arith.constant 1 : i32
      scf.for %scan3A_133 = %scan3A_128 to %scan3A_130 step %scan3A_131  : i32 {
        %mul3A_134 = arith.constant 1 : i32
        %mul3A_135 = arith.muli %scan3A_133, %mul3A_134 : i32
        %add3A_136 = arith.constant 0 : i32
        %add3A_137 = arith.addi %add3A_136, %mul3A_135 : i32
        %get3A = arith.index_cast %add3A_137 : i32 to index
        %get3A_138 = arith.constant 0 : index
        %get3A_139 = tpu.vector_load %arg12[%get3A, %get3A_138] {strides = array<i32>} : memref<80x256xf32, #tpu.memory_space<vmem>>, vector<1x16xf32>,
        %get3A_140 = vector.shape_cast %get3A_139 : vector<1x16xf32> to vector<16xf32>
        %get3A_141 = arith.index_cast %add3A_137 : i32 to index
        %get3A_142 = arith.constant 128 : index
        %get3A_143 = tpu.vector_load %arg12[%get3A_141, %get3A_142] {strides = array<i32>} : memref<80x256xf32, #tpu.memory_space<vmem>>, vector<1x16xf32>,
        %get3A_144 = vector.shape_cast %get3A_143 : vector<1x16xf32> to vector<16xf32>
        %get3A_145 = arith.index_cast %add3A_137 : i32 to index
        %get3A_146 = arith.constant 0 : index
        %get3A_147 = tpu.vector_load %arg13[%get3A_145, %get3A_146] {strides = array<i32>} : memref<80x128xf32, #tpu.memory_space<vmem>>, vector<1x16xf32>,
        %get3A_148 = vector.shape_cast %get3A_147 : vector<1x16xf32> to vector<16xf32>
        %sub3A = arith.subf %get3A_148, %get3A_144 : vector<16xf32>
        %exp3A = math.exp %sub3A : vector<16xf32>
        %add3A_149 = arith.constant 1.000000e+00 : f32
        %add3A_150 = vector.broadcast %add3A_149 : f32 to vector<16xf32>
        %add3A_151 = arith.addf %add3A_150, %exp3A : vector<16xf32>
        %div3A = arith.divf %get3A_140, %add3A_151 : vector<16xf32>
        %swap3A = arith.index_cast %add3A_137 : i32 to index
        %swap3A_152 = arith.constant 0 : index
        %swap3A_153 = tpu.vector_load %arg14[%swap3A, %swap3A_152] {strides = array<i32>} : memref<80x128xf32, #tpu.memory_space<vmem>>, vector<1x16xf32>,
        %swap3A_154 = vector.shape_cast %swap3A_153 : vector<1x16xf32> to vector<16xf32>
        %swap3A_155 = vector.shape_cast %div3A : vector<16xf32> to vector<1x16xf32>
        tpu.vector_store %arg14[%swap3A, %swap3A_152], %swap3A_155 {strides = array<i32>} : memref<80x128xf32, #tpu.memory_space<vmem>>, vector<1x16xf32>,
        %get3A_156 = arith.index_cast %add3A_137 : i32 to index
        %get3A_157 = arith.constant 16 : index
        %get3A_158 = tpu.vector_load %arg12[%get3A_156, %get3A_157] {strides = array<i32>} : memref<80x256xf32, #tpu.memory_space<vmem>>, vector<1x16xf32>,
        %get3A_159 = vector.shape_cast %get3A_158 : vector<1x16xf32> to vector<16xf32>
        %get3A_160 = arith.index_cast %add3A_137 : i32 to index
        %get3A_161 = arith.constant 144 : index
        %get3A_162 = tpu.vector_load %arg12[%get3A_160, %get3A_161] {strides = array<i32>} : memref<80x256xf32, #tpu.memory_space<vmem>>, vector<1x16xf32>,
        %get3A_163 = vector.shape_cast %get3A_162 : vector<1x16xf32> to vector<16xf32>
        %get3A_164 = arith.index_cast %add3A_137 : i32 to index
        %get3A_165 = arith.constant 16 : index
        %get3A_166 = tpu.vector_load %arg13[%get3A_164, %get3A_165] {strides = array<i32>} : memref<80x128xf32, #tpu.memory_space<vmem>>, vector<1x16xf32>,
        %get3A_167 = vector.shape_cast %get3A_166 : vector<1x16xf32> to vector<16xf32>
        %sub3A_168 = arith.subf %get3A_167, %get3A_163 : vector<16xf32>
        %exp3A_169 = math.exp %sub3A_168 : vector<16xf32>
        %add3A_170 = arith.constant 1.000000e+00 : f32
        %add3A_171 = vector.broadcast %add3A_170 : f32 to vector<16xf32>
        %add3A_172 = arith.addf %add3A_171, %exp3A_169 : vector<16xf32>
        %div3A_173 = arith.divf %get3A_159, %add3A_172 : vector<16xf32>
        %swap3A_174 = arith.index_cast %add3A_137 : i32 to index
        %swap3A_175 = arith.constant 16 : index
        %swap3A_176 = tpu.vector_load %arg14[%swap3A_174, %swap3A_175] {strides = array<i32>} : memref<80x128xf32, #tpu.memory_space<vmem>>, vector<1x16xf32>,
        %swap3A_177 = vector.shape_cast %swap3A_176 : vector<1x16xf32> to vector<16xf32>
        %swap3A_178 = vector.shape_cast %div3A_173 : vector<16xf32> to vector<1x16xf32>
        tpu.vector_store %arg14[%swap3A_174, %swap3A_175], %swap3A_178 {strides = array<i32>} : memref<80x128xf32, #tpu.memory_space<vmem>>, vector<1x16xf32>,
        %get3A_179 = arith.index_cast %add3A_137 : i32 to index
        %get3A_180 = arith.constant 32 : index
        %get3A_181 = tpu.vector_load %arg12[%get3A_179, %get3A_180] {strides = array<i32>} : memref<80x256xf32, #tpu.memory_space<vmem>>, vector<1x16xf32>,
        %get3A_182 = vector.shape_cast %get3A_181 : vector<1x16xf32> to vector<16xf32>
        %get3A_183 = arith.index_cast %add3A_137 : i32 to index
        %get3A_184 = arith.constant 160 : index
        %get3A_185 = tpu.vector_load %arg12[%get3A_183, %get3A_184] {strides = array<i32>} : memref<80x256xf32, #tpu.memory_space<vmem>>, vector<1x16xf32>,
        %get3A_186 = vector.shape_cast %get3A_185 : vector<1x16xf32> to vector<16xf32>
        %get3A_187 = arith.index_cast %add3A_137 : i32 to index
        %get3A_188 = arith.constant 32 : index
        %get3A_189 = tpu.vector_load %arg13[%get3A_187, %get3A_188] {strides = array<i32>} : memref<80x128xf32, #tpu.memory_space<vmem>>, vector<1x16xf32>,
        %get3A_190 = vector.shape_cast %get3A_189 : vector<1x16xf32> to vector<16xf32>
        %sub3A_191 = arith.subf %get3A_190, %get3A_186 : vector<16xf32>
        %exp3A_192 = math.exp %sub3A_191 : vector<16xf32>
        %add3A_193 = arith.constant 1.000000e+00 : f32
        %add3A_194 = vector.broadcast %add3A_193 : f32 to vector<16xf32>
        %add3A_195 = arith.addf %add3A_194, %exp3A_192 : vector<16xf32>
        %div3A_196 = arith.divf %get3A_182, %add3A_195 : vector<16xf32>
        %swap3A_197 = arith.index_cast %add3A_137 : i32 to index
        %swap3A_198 = arith.constant 32 : index
        %swap3A_199 = tpu.vector_load %arg14[%swap3A_197, %swap3A_198] {strides = array<i32>} : memref<80x128xf32, #tpu.memory_space<vmem>>, vector<1x16xf32>,
        %swap3A_200 = vector.shape_cast %swap3A_199 : vector<1x16xf32> to vector<16xf32>
        %swap3A_201 = vector.shape_cast %div3A_196 : vector<16xf32> to vector<1x16xf32>
        tpu.vector_store %arg14[%swap3A_197, %swap3A_198], %swap3A_201 {strides = array<i32>} : memref<80x128xf32, #tpu.memory_space<vmem>>, vector<1x16xf32>,
        %get3A_202 = arith.index_cast %add3A_137 : i32 to index
        %get3A_203 = arith.constant 48 : index
        %get3A_204 = tpu.vector_load %arg12[%get3A_202, %get3A_203] {strides = array<i32>} : memref<80x256xf32, #tpu.memory_space<vmem>>, vector<1x16xf32>,
        %get3A_205 = vector.shape_cast %get3A_204 : vector<1x16xf32> to vector<16xf32>
        %get3A_206 = arith.index_cast %add3A_137 : i32 to index
        %get3A_207 = arith.constant 176 : index
        %get3A_208 = tpu.vector_load %arg12[%get3A_206, %get3A_207] {strides = array<i32>} : memref<80x256xf32, #tpu.memory_space<vmem>>, vector<1x16xf32>,
        %get3A_209 = vector.shape_cast %get3A_208 : vector<1x16xf32> to vector<16xf32>
        %get3A_210 = arith.index_cast %add3A_137 : i32 to index
        %get3A_211 = arith.constant 48 : index
        %get3A_212 = tpu.vector_load %arg13[%get3A_210, %get3A_211] {strides = array<i32>} : memref<80x128xf32, #tpu.memory_space<vmem>>, vector<1x16xf32>,
        %get3A_213 = vector.shape_cast %get3A_212 : vector<1x16xf32> to vector<16xf32>
        %sub3A_214 = arith.subf %get3A_213, %get3A_209 : vector<16xf32>
        %exp3A_215 = math.exp %sub3A_214 : vector<16xf32>
        %add3A_216 = arith.constant 1.000000e+00 : f32
        %add3A_217 = vector.broadcast %add3A_216 : f32 to vector<16xf32>
        %add3A_218 = arith.addf %add3A_217, %exp3A_215 : vector<16xf32>
        %div3A_219 = arith.divf %get3A_205, %add3A_218 : vector<16xf32>
        %swap3A_220 = arith.index_cast %add3A_137 : i32 to index
        %swap3A_221 = arith.constant 48 : index
        %swap3A_222 = tpu.vector_load %arg14[%swap3A_220, %swap3A_221] {strides = array<i32>} : memref<80x128xf32, #tpu.memory_space<vmem>>, vector<1x16xf32>,
        %swap3A_223 = vector.shape_cast %swap3A_222 : vector<1x16xf32> to vector<16xf32>
        %swap3A_224 = vector.shape_cast %div3A_219 : vector<16xf32> to vector<1x16xf32>
        tpu.vector_store %arg14[%swap3A_220, %swap3A_221], %swap3A_224 {strides = array<i32>} : memref<80x128xf32, #tpu.memory_space<vmem>>, vector<1x16xf32>,
        %get3A_225 = arith.index_cast %add3A_137 : i32 to index
        %get3A_226 = arith.constant 64 : index
        %get3A_227 = tpu.vector_load %arg12[%get3A_225, %get3A_226] {strides = array<i32>} : memref<80x256xf32, #tpu.memory_space<vmem>>, vector<1x16xf32>,
        %get3A_228 = vector.shape_cast %get3A_227 : vector<1x16xf32> to vector<16xf32>
        %get3A_229 = arith.index_cast %add3A_137 : i32 to index
        %get3A_230 = arith.constant 192 : index
        %get3A_231 = tpu.vector_load %arg12[%get3A_229, %get3A_230] {strides = array<i32>} : memref<80x256xf32, #tpu.memory_space<vmem>>, vector<1x16xf32>,
        %get3A_232 = vector.shape_cast %get3A_231 : vector<1x16xf32> to vector<16xf32>
        %get3A_233 = arith.index_cast %add3A_137 : i32 to index
        %get3A_234 = arith.constant 64 : index
        %get3A_235 = tpu.vector_load %arg13[%get3A_233, %get3A_234] {strides = array<i32>} : memref<80x128xf32, #tpu.memory_space<vmem>>, vector<1x16xf32>,
        %get3A_236 = vector.shape_cast %get3A_235 : vector<1x16xf32> to vector<16xf32>
        %sub3A_237 = arith.subf %get3A_236, %get3A_232 : vector<16xf32>
        %exp3A_238 = math.exp %sub3A_237 : vector<16xf32>
        %add3A_239 = arith.constant 1.000000e+00 : f32
        %add3A_240 = vector.broadcast %add3A_239 : f32 to vector<16xf32>
        %add3A_241 = arith.addf %add3A_240, %exp3A_238 : vector<16xf32>
        %div3A_242 = arith.divf %get3A_228, %add3A_241 : vector<16xf32>
        %swap3A_243 = arith.index_cast %add3A_137 : i32 to index
        %swap3A_244 = arith.constant 64 : index
        %swap3A_245 = tpu.vector_load %arg14[%swap3A_243, %swap3A_244] {strides = array<i32>} : memref<80x128xf32, #tpu.memory_space<vmem>>, vector<1x16xf32>,
        %swap3A_246 = vector.shape_cast %swap3A_245 : vector<1x16xf32> to vector<16xf32>
        %swap3A_247 = vector.shape_cast %div3A_242 : vector<16xf32> to vector<1x16xf32>
        tpu.vector_store %arg14[%swap3A_243, %swap3A_244], %swap3A_247 {strides = array<i32>} : memref<80x128xf32, #tpu.memory_space<vmem>>, vector<1x16xf32>,
        %get3A_248 = arith.index_cast %add3A_137 : i32 to index
        %get3A_249 = arith.constant 80 : index
        %get3A_250 = tpu.vector_load %arg12[%get3A_248, %get3A_249] {strides = array<i32>} : memref<80x256xf32, #tpu.memory_space<vmem>>, vector<1x16xf32>,
        %get3A_251 = vector.shape_cast %get3A_250 : vector<1x16xf32> to vector<16xf32>
        %get3A_252 = arith.index_cast %add3A_137 : i32 to index
        %get3A_253 = arith.constant 208 : index
        %get3A_254 = tpu.vector_load %arg12[%get3A_252, %get3A_253] {strides = array<i32>} : memref<80x256xf32, #tpu.memory_space<vmem>>, vector<1x16xf32>,
        %get3A_255 = vector.shape_cast %get3A_254 : vector<1x16xf32> to vector<16xf32>
        %get3A_256 = arith.index_cast %add3A_137 : i32 to index
        %get3A_257 = arith.constant 80 : index
        %get3A_258 = tpu.vector_load %arg13[%get3A_256, %get3A_257] {strides = array<i32>} : memref<80x128xf32, #tpu.memory_space<vmem>>, vector<1x16xf32>,
        %get3A_259 = vector.shape_cast %get3A_258 : vector<1x16xf32> to vector<16xf32>
        %sub3A_260 = arith.subf %get3A_259, %get3A_255 : vector<16xf32>
        %exp3A_261 = math.exp %sub3A_260 : vector<16xf32>
        %add3A_262 = arith.constant 1.000000e+00 : f32
        %add3A_263 = vector.broadcast %add3A_262 : f32 to vector<16xf32>
        %add3A_264 = arith.addf %add3A_263, %exp3A_261 : vector<16xf32>
        %div3A_265 = arith.divf %get3A_251, %add3A_264 : vector<16xf32>
        %swap3A_266 = arith.index_cast %add3A_137 : i32 to index
        %swap3A_267 = arith.constant 80 : index
        %swap3A_268 = tpu.vector_load %arg14[%swap3A_266, %swap3A_267] {strides = array<i32>} : memref<80x128xf32, #tpu.memory_space<vmem>>, vector<1x16xf32>,
        %swap3A_269 = vector.shape_cast %swap3A_268 : vector<1x16xf32> to vector<16xf32>
        %swap3A_270 = vector.shape_cast %div3A_265 : vector<16xf32> to vector<1x16xf32>
        tpu.vector_store %arg14[%swap3A_266, %swap3A_267], %swap3A_270 {strides = array<i32>} : memref<80x128xf32, #tpu.memory_space<vmem>>, vector<1x16xf32>,
        %get3A_271 = arith.index_cast %add3A_137 : i32 to index
        %get3A_272 = arith.constant 96 : index
        %get3A_273 = tpu.vector_load %arg12[%get3A_271, %get3A_272] {strides = array<i32>} : memref<80x256xf32, #tpu.memory_space<vmem>>, vector<1x16xf32>,
        %get3A_274 = vector.shape_cast %get3A_273 : vector<1x16xf32> to vector<16xf32>
        %get3A_275 = arith.index_cast %add3A_137 : i32 to index
        %get3A_276 = arith.constant 224 : index
        %get3A_277 = tpu.vector_load %arg12[%get3A_275, %get3A_276] {strides = array<i32>} : memref<80x256xf32, #tpu.memory_space<vmem>>, vector<1x16xf32>,
        %get3A_278 = vector.shape_cast %get3A_277 : vector<1x16xf32> to vector<16xf32>
        %get3A_279 = arith.index_cast %add3A_137 : i32 to index
        %get3A_280 = arith.constant 96 : index
        %get3A_281 = tpu.vector_load %arg13[%get3A_279, %get3A_280] {strides = array<i32>} : memref<80x128xf32, #tpu.memory_space<vmem>>, vector<1x16xf32>,
        %get3A_282 = vector.shape_cast %get3A_281 : vector<1x16xf32> to vector<16xf32>
        %sub3A_283 = arith.subf %get3A_282, %get3A_278 : vector<16xf32>
        %exp3A_284 = math.exp %sub3A_283 : vector<16xf32>
        %add3A_285 = arith.constant 1.000000e+00 : f32
        %add3A_286 = vector.broadcast %add3A_285 : f32 to vector<16xf32>
        %add3A_287 = arith.addf %add3A_286, %exp3A_284 : vector<16xf32>
        %div3A_288 = arith.divf %get3A_274, %add3A_287 : vector<16xf32>
        %swap3A_289 = arith.index_cast %add3A_137 : i32 to index
        %swap3A_290 = arith.constant 96 : index
        %swap3A_291 = tpu.vector_load %arg14[%swap3A_289, %swap3A_290] {strides = array<i32>} : memref<80x128xf32, #tpu.memory_space<vmem>>, vector<1x16xf32>,
        %swap3A_292 = vector.shape_cast %swap3A_291 : vector<1x16xf32> to vector<16xf32>
        %swap3A_293 = vector.shape_cast %div3A_288 : vector<16xf32> to vector<1x16xf32>
        tpu.vector_store %arg14[%swap3A_289, %swap3A_290], %swap3A_293 {strides = array<i32>} : memref<80x128xf32, #tpu.memory_space<vmem>>, vector<1x16xf32>,
        %get3A_294 = arith.index_cast %add3A_137 : i32 to index
        %get3A_295 = arith.constant 112 : index
        %get3A_296 = tpu.vector_load %arg12[%get3A_294, %get3A_295] {strides = array<i32>} : memref<80x256xf32, #tpu.memory_space<vmem>>, vector<1x16xf32>,
        %get3A_297 = vector.shape_cast %get3A_296 : vector<1x16xf32> to vector<16xf32>
        %get3A_298 = arith.index_cast %add3A_137 : i32 to index
        %get3A_299 = arith.constant 240 : index
        %get3A_300 = tpu.vector_load %arg12[%get3A_298, %get3A_299] {strides = array<i32>} : memref<80x256xf32, #tpu.memory_space<vmem>>, vector<1x16xf32>,
        %get3A_301 = vector.shape_cast %get3A_300 : vector<1x16xf32> to vector<16xf32>
        %get3A_302 = arith.index_cast %add3A_137 : i32 to index
        %get3A_303 = arith.constant 112 : index
        %get3A_304 = tpu.vector_load %arg13[%get3A_302, %get3A_303] {strides = array<i32>} : memref<80x128xf32, #tpu.memory_space<vmem>>, vector<1x16xf32>,
        %get3A_305 = vector.shape_cast %get3A_304 : vector<1x16xf32> to vector<16xf32>
        %sub3A_306 = arith.subf %get3A_305, %get3A_301 : vector<16xf32>
        %exp3A_307 = math.exp %sub3A_306 : vector<16xf32>
        %add3A_308 = arith.constant 1.000000e+00 : f32
        %add3A_309 = vector.broadcast %add3A_308 : f32 to vector<16xf32>
        %add3A_310 = arith.addf %add3A_309, %exp3A_307 : vector<16xf32>
        %div3A_311 = arith.divf %get3A_297, %add3A_310 : vector<16xf32>
        %swap3A_312 = arith.index_cast %add3A_137 : i32 to index
        %swap3A_313 = arith.constant 112 : index
        %swap3A_314 = tpu.vector_load %arg14[%swap3A_312, %swap3A_313] {strides = array<i32>} : memref<80x128xf32, #tpu.memory_space<vmem>>, vector<1x16xf32>,
        %swap3A_315 = vector.shape_cast %swap3A_314 : vector<1x16xf32> to vector<16xf32>
        %swap3A_316 = vector.shape_cast %div3A_311 : vector<16xf32> to vector<1x16xf32>
        tpu.vector_store %arg14[%swap3A_312, %swap3A_313], %swap3A_316 {strides = array<i32>} : memref<80x128xf32, #tpu.memory_space<vmem>>, vector<1x16xf32>,
      }
      %scan3A_132 = arith.constant 80 : i32
      "tpu.region"() ({
        %run_scoped3A = tpu.sem_alloc : memref<!tpu.dma_semaphore, #tpu.memory_space<semaphore_mem>>
        %dma_start3A_133 = arith.constant 0 : i32
        %dma_start3A_134 = arith.constant 0 : i32
        %dma_start3A_135 = tpu.memref_slice %arg9[%dma_start3A_133, %dma_start3A_134] : memref<10000x128xf32, #tpu.memory_space<vmem_shared>> -> memref<10000x128xf32, #tpu.memory_space<vmem_shared>>
        tpu.enqueue_indirect_dma source(%arg14 : memref<80x128xf32, #tpu.memory_space<vmem>>) target(%dma_start3A_135 : memref<10000x128xf32, #tpu.memory_space<vmem_shared>>) offsets(%arg11 : memref<80xi32, #tpu.memory_space<vmem>>) semaphore(%run_scoped3A : memref<!tpu.dma_semaphore, #tpu.memory_space<semaphore_mem>>) {add = true}
        %dma_wait3A_136 = arith.constant 0 : i32
        %dma_wait3A_137 = arith.constant 0 : i32
        %dma_wait3A_138 = tpu.memref_slice %arg9[%dma_wait3A_136, %dma_wait3A_137] : memref<10000x128xf32, #tpu.memory_space<vmem_shared>> -> memref<10000x128xf32, #tpu.memory_space<vmem_shared>>
        tpu.wait_indirect_dma semaphore(%run_scoped3A : memref<!tpu.dma_semaphore, #tpu.memory_space<semaphore_mem>>) src(%arg14 : memref<80x128xf32, #tpu.memory_space<vmem>>) dst(%dma_wait3A_138 : memref<10000x128xf32, #tpu.memory_space<vmem_shared>>)
        tpu.yield
      }) : () -> ()
    }
    %scan3A_94 = arith.constant 250 : i32
    %barrier3A_95 = arith.constant 0 : index
    tpu.barrier barrier_id(%barrier3A_95)
    %mul3A_96 = arith.constant 624 : i32
    %mul3A_97 = arith.muli %arg1, %mul3A_96 : i32
    %mul3A_98 = arith.constant 624 : i32
    %mul3A_99 = arith.muli %arg1, %mul3A_98 : i32
    "tpu.region"() ({
      %run_scoped3A = tpu.sem_alloc : memref<!tpu.dma_semaphore, #tpu.memory_space<semaphore_mem>>
      %dma_start3A = arith.constant 0 : i32
      %dma_start3A_105 = tpu.memref_slice %arg8[%arg0, %mul3A_99, %dma_start3A] : memref<2x10000x128xf32, #tpu.memory_space<hbm>> -> memref<1x624x128xf32, #tpu.memory_space<hbm>>
      %dma_start3A_106 = tpu.memref_squeeze %dma_start3A_105 : memref<1x624x128xf32, #tpu.memory_space<hbm>> -> memref<624x128xf32, #tpu.memory_space<hbm>>
      %dma_start3A_107 = arith.constant 0 : i32
      %dma_start3A_108 = tpu.memref_slice %arg9[%mul3A_97, %dma_start3A_107] : memref<10000x128xf32, #tpu.memory_space<vmem_shared>> -> memref<624x128xf32, #tpu.memory_space<vmem_shared>>
      tpu.enqueue_dma source(%dma_start3A_108 : memref<624x128xf32, #tpu.memory_space<vmem_shared>>) target(%dma_start3A_106 : memref<624x128xf32, #tpu.memory_space<hbm>>) target_semaphore(%run_scoped3A : memref<!tpu.dma_semaphore, #tpu.memory_space<semaphore_mem>>)
      %dma_wait3A = arith.constant 0 : i32
      %dma_wait3A_109 = tpu.memref_slice %arg8[%arg0, %mul3A_99, %dma_wait3A] : memref<2x10000x128xf32, #tpu.memory_space<hbm>> -> memref<1x624x128xf32, #tpu.memory_space<hbm>>
      %dma_wait3A_110 = tpu.memref_squeeze %dma_wait3A_109 : memref<1x624x128xf32, #tpu.memory_space<hbm>> -> memref<624x128xf32, #tpu.memory_space<hbm>>
      %dma_wait3A_111 = arith.constant 0 : i32
      %dma_wait3A_112 = tpu.memref_slice %arg9[%mul3A_97, %dma_wait3A_111] : memref<10000x128xf32, #tpu.memory_space<vmem_shared>> -> memref<624x128xf32, #tpu.memory_space<vmem_shared>>
      tpu.wait_dma2 semaphore(%run_scoped3A : memref<!tpu.dma_semaphore, #tpu.memory_space<semaphore_mem>>) src(%dma_wait3A_112 : memref<624x128xf32, #tpu.memory_space<vmem_shared>>) dst(%dma_wait3A_110 : memref<624x128xf32, #tpu.memory_space<hbm>>)
      tpu.yield
    }) : () -> ()
    %eq3A_100 = arith.constant 15 : i32
    %eq3A_101 = arith.cmpi eq, %arg1, %eq3A_100 : i32
    %convert_element_type3A_102 = arith.extui %eq3A_101 : i1 to i32
    %cond3A_103 = arith.constant 0 : i32
    %cond3A_104 = arith.cmpi ne, %convert_element_type3A_102, %cond3A_103 : i32
    scf.if %cond3A_104 {
      "tpu.region"() ({
        %run_scoped3A = tpu.sem_alloc : memref<!tpu.dma_semaphore, #tpu.memory_space<semaphore_mem>>
        %dma_start3A = arith.constant 9984 : i32
        %dma_start3A_105 = arith.constant 0 : i32
        %dma_start3A_106 = tpu.memref_slice %arg8[%arg0, %dma_start3A, %dma_start3A_105] : memref<2x10000x128xf32, #tpu.memory_space<hbm>> -> memref<1x16x128xf32, #tpu.memory_space<hbm>>
        %dma_start3A_107 = tpu.memref_squeeze %dma_start3A_106 : memref<1x16x128xf32, #tpu.memory_space<hbm>> -> memref<16x128xf32, #tpu.memory_space<hbm>>
        %dma_start3A_108 = arith.constant 9984 : i32
        %dma_start3A_109 = arith.constant 0 : i32
        %dma_start3A_110 = tpu.memref_slice %arg9[%dma_start3A_108, %dma_start3A_109] : memref<10000x128xf32, #tpu.memory_space<vmem_shared>> -> memref<16x128xf32, #tpu.memory_space<vmem_shared>>
        tpu.enqueue_dma source(%dma_start3A_110 : memref<16x128xf32, #tpu.memory_space<vmem_shared>>) target(%dma_start3A_107 : memref<16x128xf32, #tpu.memory_space<hbm>>) target_semaphore(%run_scoped3A : memref<!tpu.dma_semaphore, #tpu.memory_space<semaphore_mem>>)
        %dma_wait3A = arith.constant 9984 : i32
        %dma_wait3A_111 = arith.constant 0 : i32
        %dma_wait3A_112 = tpu.memref_slice %arg8[%arg0, %dma_wait3A, %dma_wait3A_111] : memref<2x10000x128xf32, #tpu.memory_space<hbm>> -> memref<1x16x128xf32, #tpu.memory_space<hbm>>
        %dma_wait3A_113 = tpu.memref_squeeze %dma_wait3A_112 : memref<1x16x128xf32, #tpu.memory_space<hbm>> -> memref<16x128xf32, #tpu.memory_space<hbm>>
        %dma_wait3A_114 = arith.constant 9984 : i32
        %dma_wait3A_115 = arith.constant 0 : i32
        %dma_wait3A_116 = tpu.memref_slice %arg9[%dma_wait3A_114, %dma_wait3A_115] : memref<10000x128xf32, #tpu.memory_space<vmem_shared>> -> memref<16x128xf32, #tpu.memory_space<vmem_shared>>
        tpu.wait_dma2 semaphore(%run_scoped3A : memref<!tpu.dma_semaphore, #tpu.memory_space<semaphore_mem>>) src(%dma_wait3A_116 : memref<16x128xf32, #tpu.memory_space<vmem_shared>>) dst(%dma_wait3A_113 : memref<16x128xf32, #tpu.memory_space<hbm>>)
        tpu.yield
      }) : () -> ()
    } else {
    }
    return
  }
}

module attributes {stable_mosaic.version = 14 : i64} {
  func.func @_k1_body(%arg0: i32, %arg1: memref<2000x1xi32, #tpu.memory_space<vmem>>, %arg2: memref<2004x128xf32, #tpu.memory_space<vmem>>, %arg3: memref<128x384xf32, #tpu.memory_space<vmem>>, %arg4: memref<1x384xf32, #tpu.memory_space<vmem>>, %arg5: memref<128x128xf32, #tpu.memory_space<vmem>>, %arg6: memref<1x128xf32, #tpu.memory_space<vmem>>, %arg7: memref<128x128xf32, #tpu.memory_space<vmem>>, %arg8: memref<2000x384xf32, #tpu.memory_space<vmem>>, %arg9: memref<2000x128xf32, #tpu.memory_space<vmem>>, %arg10: memref<2000x256xf32, #tpu.memory_space<vmem>>, %arg11: memref<2000x128xf32, #tpu.memory_space<vmem>>) attributes {dimension_semantics = [#tpu.dimension_semantics<arbitrary>], iteration_bounds = array<i64: 5>, scalar_prefetch = 0 : i64, scratch_operands = 0 : i64, tpu.core_type = #tpu.core_type<tc>, window_params = [{transform_indices = @transform_0, window_bounds = array<i64: 2000, 1>}, {pipeline_mode = #tpu.pipeline_mode<synchronous>, transform_indices = @transform_1, window_bounds = array<i64: 2004, 128>}, {pipeline_mode = #tpu.pipeline_mode<synchronous>, transform_indices = @transform_2, window_bounds = array<i64: 128, 384>}, {pipeline_mode = #tpu.pipeline_mode<synchronous>, transform_indices = @transform_3, window_bounds = array<i64: 1, 384>}, {pipeline_mode = #tpu.pipeline_mode<synchronous>, transform_indices = @transform_4, window_bounds = array<i64: 128, 128>}, {pipeline_mode = #tpu.pipeline_mode<synchronous>, transform_indices = @transform_5, window_bounds = array<i64: 1, 128>}, {pipeline_mode = #tpu.pipeline_mode<synchronous>, transform_indices = @transform_6, window_bounds = array<i64: 128, 128>}, {transform_indices = @transform_7, window_bounds = array<i64: 2000, 384>}, {transform_indices = @transform_8, window_bounds = array<i64: 2000, 128>}, {transform_indices = @transform_9, window_bounds = array<i64: 2000, 256>}, {transform_indices = @transform_10, window_bounds = array<i64: 2000, 128>}]} {
    %get3A = arith.constant 0 : index
    %get3A_0 = arith.constant 0 : index
    %get3A_1 = vector.load %arg1[%get3A, %get3A_0] : memref<2000x1xi32, #tpu.memory_space<vmem>>, vector<2000x1xi32>
    %iota3A = tpu.iota {dimensions = array<i32: 1>} : vector<2000x2004xi32>
    %eq3A = vector.broadcast %get3A_1 : vector<2000x1xi32> to vector<2000x2004xi32>
    %eq3A_2 = arith.cmpi eq, %eq3A, %iota3A : vector<2000x2004xi32>
    %convert_element_type3A = arith.extui %eq3A_2 : vector<2000x2004xi1> to vector<2000x2004xi32>
    %convert_element_type3A_3 = arith.sitofp %convert_element_type3A : vector<2000x2004xi32> to vector<2000x2004xf32>
    %get3A_4 = arith.constant 0 : index
    %get3A_5 = arith.constant 0 : index
    %get3A_6 = vector.load %arg2[%get3A_4, %get3A_5] : memref<2004x128xf32, #tpu.memory_space<vmem>>, vector<2004x128xf32>
    %dot_general3A = arith.constant dense<0.000000e+00> : vector<2000x128xf32>
    %dot_general3A_7 = tpu.matmul %convert_element_type3A_3, %get3A_6, %dot_general3A {dimension_numbers = #tpu.dot_dimension_numbers<[1], [0], [0], [1], [0, 0, 1, 1], [], []>, transpose_lhs_hint = false} : vector<2000x2004xf32>, vector<2004x128xf32>, vector<2000x128xf32> -> vector<2000x128xf32>
    %get3A_8 = arith.constant 0 : index
    %get3A_9 = arith.constant 0 : index
    %get3A_10 = vector.load %arg3[%get3A_8, %get3A_9] : memref<128x384xf32, #tpu.memory_space<vmem>>, vector<128x384xf32>
    %dot_general3A_11 = arith.constant dense<0.000000e+00> : vector<2000x384xf32>
    %dot_general3A_12 = tpu.matmul %dot_general3A_7, %get3A_10, %dot_general3A_11 {dimension_numbers = #tpu.dot_dimension_numbers<[1], [0], [0], [1], [0, 0, 1, 1], [], []>, transpose_lhs_hint = false} : vector<2000x128xf32>, vector<128x384xf32>, vector<2000x384xf32> -> vector<2000x384xf32>
    %get3A_13 = arith.constant 0 : index
    %get3A_14 = arith.constant 0 : index
    %get3A_15 = vector.load %arg4[%get3A_13, %get3A_14] : memref<1x384xf32, #tpu.memory_space<vmem>>, vector<1x384xf32>
    %add3A = vector.broadcast %get3A_15 : vector<1x384xf32> to vector<2000x384xf32>
    %add3A_16 = arith.addf %dot_general3A_12, %add3A : vector<2000x384xf32>
    %slice3A = vector.extract_strided_slice %add3A_16 {offsets = [0, 0], sizes = [2000, 128], strides = [1, 1]} : vector<2000x384xf32> to vector<2000x128xf32>
    %slice3A_17 = vector.extract_strided_slice %add3A_16 {offsets = [0, 128], sizes = [2000, 128], strides = [1, 1]} : vector<2000x384xf32> to vector<2000x128xf32>
    %slice3A_18 = vector.extract_strided_slice %add3A_16 {offsets = [0, 256], sizes = [2000, 128], strides = [1, 1]} : vector<2000x384xf32> to vector<2000x128xf32>
    %logistic3A = arith.negf %slice3A : vector<2000x128xf32>
    %logistic3A_19 = math.exp %logistic3A : vector<2000x128xf32>
    %logistic3A_20 = arith.constant 1.000000e+00 : f32
    %logistic3A_21 = vector.broadcast %logistic3A_20 : f32 to vector<2000x128xf32>
    %logistic3A_22 = arith.addf %logistic3A_21, %logistic3A_19 : vector<2000x128xf32>
    %logistic3A_23 = arith.divf %logistic3A_21, %logistic3A_22 : vector<2000x128xf32>
    %tanh3A = math.tanh %slice3A_18 : vector<2000x128xf32>
    %mul3A = arith.mulf %logistic3A_23, %tanh3A : vector<2000x128xf32>
    %logistic3A_24 = arith.negf %slice3A_17 : vector<2000x128xf32>
    %logistic3A_25 = math.exp %logistic3A_24 : vector<2000x128xf32>
    %logistic3A_26 = arith.constant 1.000000e+00 : f32
    %logistic3A_27 = vector.broadcast %logistic3A_26 : f32 to vector<2000x128xf32>
    %logistic3A_28 = arith.addf %logistic3A_27, %logistic3A_25 : vector<2000x128xf32>
    %logistic3A_29 = arith.divf %logistic3A_27, %logistic3A_28 : vector<2000x128xf32>
    %tanh3A_30 = math.tanh %mul3A : vector<2000x128xf32>
    %mul3A_31 = arith.mulf %logistic3A_29, %tanh3A_30 : vector<2000x128xf32>
    %swap3A = arith.constant 0 : index
    %swap3A_32 = arith.constant 0 : index
    %swap3A_33 = vector.load %arg8[%swap3A, %swap3A_32] : memref<2000x384xf32, #tpu.memory_space<vmem>>, vector<2000x384xf32>
    tpu.vector_store %arg8[%swap3A, %swap3A_32], %add3A_16 {strides = array<i32>} : memref<2000x384xf32, #tpu.memory_space<vmem>>, vector<2000x384xf32>,
    %swap3A_34 = arith.constant 0 : index
    %swap3A_35 = arith.constant 0 : index
    %swap3A_36 = vector.load %arg9[%swap3A_34, %swap3A_35] : memref<2000x128xf32, #tpu.memory_space<vmem>>, vector<2000x128xf32>
    tpu.vector_store %arg9[%swap3A_34, %swap3A_35], %mul3A_31 {strides = array<i32>} : memref<2000x128xf32, #tpu.memory_space<vmem>>, vector<2000x128xf32>,
    %get3A_37 = arith.constant 0 : index
    %get3A_38 = arith.constant 0 : index
    %get3A_39 = vector.load %arg7[%get3A_37, %get3A_38] : memref<128x128xf32, #tpu.memory_space<vmem>>, vector<128x128xf32>
    %dot_general3A_40 = arith.constant dense<0.000000e+00> : vector<2000x128xf32>
    %dot_general3A_41 = tpu.matmul %mul3A_31, %get3A_39, %dot_general3A_40 {dimension_numbers = #tpu.dot_dimension_numbers<[1], [0], [0], [1], [0, 0, 1, 1], [], []>, transpose_lhs_hint = false} : vector<2000x128xf32>, vector<128x128xf32>, vector<2000x128xf32> -> vector<2000x128xf32>
    %concatenate3A = tpu.concatenate %mul3A, %dot_general3A_41 in 1 : vector<2000x128xf32>, vector<2000x128xf32> -> vector<2000x256xf32>
    %swap3A_42 = arith.constant 0 : index
    %swap3A_43 = arith.constant 0 : index
    %swap3A_44 = vector.load %arg10[%swap3A_42, %swap3A_43] : memref<2000x256xf32, #tpu.memory_space<vmem>>, vector<2000x256xf32>
    tpu.vector_store %arg10[%swap3A_42, %swap3A_43], %concatenate3A {strides = array<i32>} : memref<2000x256xf32, #tpu.memory_space<vmem>>, vector<2000x256xf32>,
    %get3A_45 = arith.constant 0 : index
    %get3A_46 = arith.constant 0 : index
    %get3A_47 = vector.load %arg5[%get3A_45, %get3A_46] : memref<128x128xf32, #tpu.memory_space<vmem>>, vector<128x128xf32>
    %dot_general3A_48 = arith.constant dense<0.000000e+00> : vector<2000x128xf32>
    %dot_general3A_49 = tpu.matmul %dot_general3A_7, %get3A_47, %dot_general3A_48 {dimension_numbers = #tpu.dot_dimension_numbers<[1], [0], [0], [1], [0, 0, 1, 1], [], []>, transpose_lhs_hint = false} : vector<2000x128xf32>, vector<128x128xf32>, vector<2000x128xf32> -> vector<2000x128xf32>
    %get3A_50 = arith.constant 0 : index
    %get3A_51 = arith.constant 0 : index
    %get3A_52 = vector.load %arg6[%get3A_50, %get3A_51] : memref<1x128xf32, #tpu.memory_space<vmem>>, vector<1x128xf32>
    %add3A_53 = vector.broadcast %get3A_52 : vector<1x128xf32> to vector<2000x128xf32>
    %add3A_54 = arith.addf %dot_general3A_49, %add3A_53 : vector<2000x128xf32>
    %neg3A = arith.constant 0.000000e+00 : f32
    %neg3A_55 = vector.broadcast %neg3A : f32 to vector<2000x128xf32>
    %neg3A_56 = arith.subf %neg3A_55, %add3A_54 : vector<2000x128xf32>
    %swap3A_57 = arith.constant 0 : index
    %swap3A_58 = arith.constant 0 : index
    %swap3A_59 = vector.load %arg11[%swap3A_57, %swap3A_58] : memref<2000x128xf32, #tpu.memory_space<vmem>>, vector<2000x128xf32>
    tpu.vector_store %arg11[%swap3A_57, %swap3A_58], %neg3A_56 {strides = array<i32>} : memref<2000x128xf32, #tpu.memory_space<vmem>>, vector<2000x128xf32>,
    return
  }
  func.func @transform_0(%arg0: i32) -> (i32, i32) {
    %c0_i32 = arith.constant 0 : i32
    %c0_i32_0 = arith.constant 0 : i32
    return %arg0, %c0_i32 : i32, i32
  }
  func.func @transform_1(%arg0: i32) -> (i32, i32) {
    %c0_i32 = arith.constant 0 : i32
    %c0_i32_0 = arith.constant 0 : i32
    %c0_i32_1 = arith.constant 0 : i32
    return %c0_i32, %c0_i32_0 : i32, i32
  }
  func.func @transform_2(%arg0: i32) -> (i32, i32) {
    %c0_i32 = arith.constant 0 : i32
    %c0_i32_0 = arith.constant 0 : i32
    %c0_i32_1 = arith.constant 0 : i32
    return %c0_i32, %c0_i32_0 : i32, i32
  }
  func.func @transform_3(%arg0: i32) -> (i32, i32) {
    %c0_i32 = arith.constant 0 : i32
    %c0_i32_0 = arith.constant 0 : i32
    %c0_i32_1 = arith.constant 0 : i32
    return %c0_i32, %c0_i32_0 : i32, i32
  }
  func.func @transform_4(%arg0: i32) -> (i32, i32) {
    %c0_i32 = arith.constant 0 : i32
    %c0_i32_0 = arith.constant 0 : i32
    %c0_i32_1 = arith.constant 0 : i32
    return %c0_i32, %c0_i32_0 : i32, i32
  }
  func.func @transform_5(%arg0: i32) -> (i32, i32) {
    %c0_i32 = arith.constant 0 : i32
    %c0_i32_0 = arith.constant 0 : i32
    %c0_i32_1 = arith.constant 0 : i32
    return %c0_i32, %c0_i32_0 : i32, i32
  }
  func.func @transform_6(%arg0: i32) -> (i32, i32) {
    %c0_i32 = arith.constant 0 : i32
    %c0_i32_0 = arith.constant 0 : i32
    %c0_i32_1 = arith.constant 0 : i32
    return %c0_i32, %c0_i32_0 : i32, i32
  }
  func.func @transform_7(%arg0: i32) -> (i32, i32) {
    %c0_i32 = arith.constant 0 : i32
    %c0_i32_0 = arith.constant 0 : i32
    return %arg0, %c0_i32 : i32, i32
  }
  func.func @transform_8(%arg0: i32) -> (i32, i32) {
    %c0_i32 = arith.constant 0 : i32
    %c0_i32_0 = arith.constant 0 : i32
    return %arg0, %c0_i32 : i32, i32
  }
  func.func @transform_9(%arg0: i32) -> (i32, i32) {
    %c0_i32 = arith.constant 0 : i32
    %c0_i32_0 = arith.constant 0 : i32
    return %arg0, %c0_i32 : i32, i32
  }
  func.func @transform_10(%arg0: i32) -> (i32, i32) {
    %c0_i32 = arith.constant 0 : i32
    %c0_i32_0 = arith.constant 0 : i32
    return %arg0, %c0_i32 : i32, i32
  }
}

module attributes {stable_mosaic.version = 14 : i64} {
  func.func @_k2_body(%arg0: i32, %arg1: memref<2000x384xf32, #tpu.memory_space<vmem>>, %arg2: memref<2000x128xf32, #tpu.memory_space<vmem>>, %arg3: memref<2000x128xf32, #tpu.memory_space<vmem>>, %arg4: memref<2000x128xf32, #tpu.memory_space<vmem>>, %arg5: memref<2000x128xf32, #tpu.memory_space<vmem>>, %arg6: memref<128x384xf32, #tpu.memory_space<vmem>>, %arg7: memref<128x64xf32, #tpu.memory_space<vmem>>, %arg8: memref<128x128xf32, #tpu.memory_space<vmem>>, %arg9: memref<1x128xf32, #tpu.memory_space<vmem>>, %arg10: memref<128x128xf32, #tpu.memory_space<vmem>>, %arg11: memref<1x128xf32, #tpu.memory_space<vmem>>, %arg12: memref<2000x1xi32, #tpu.memory_space<vmem>>, %arg13: memref<256x1xi32, #tpu.memory_space<vmem>>, %arg14: memref<256x128xf32, #tpu.memory_space<vmem>>, %arg15: memref<1x128xf32, #tpu.memory_space<vmem>>, %arg16: memref<128x1xf32, #tpu.memory_space<vmem>>, %arg17: memref<1x1xf32, #tpu.memory_space<vmem>>, %arg18: memref<256x256xf32, #tpu.memory_space<vmem>>, %arg19: memref<1x256xf32, #tpu.memory_space<vmem>>, %arg20: memref<256x256xf32, #tpu.memory_space<vmem>>, %arg21: memref<1x256xf32, #tpu.memory_space<vmem>>, %arg22: memref<256x1000xf32, #tpu.memory_space<vmem>>, %arg23: memref<1x1000xf32, #tpu.memory_space<vmem>>, %arg24: memref<32x1001xf32, #tpu.memory_space<vmem>>, %arg25: memref<256x128xf32, #tpu.memory_space<vmem>>) attributes {dimension_semantics = [#tpu.dimension_semantics<arbitrary>], iteration_bounds = array<i64: 5>, scalar_prefetch = 0 : i64, scratch_operands = 1 : i64, tpu.core_type = #tpu.core_type<tc>, window_params = [{transform_indices = @transform_0, window_bounds = array<i64: 2000, 384>}, {transform_indices = @transform_1, window_bounds = array<i64: 2000, 128>}, {transform_indices = @transform_2, window_bounds = array<i64: 2000, 128>}, {transform_indices = @transform_3, window_bounds = array<i64: 2000, 128>}, {transform_indices = @transform_4, window_bounds = array<i64: 2000, 128>}, {pipeline_mode = #tpu.pipeline_mode<synchronous>, transform_indices = @transform_5, window_bounds = array<i64: 128, 384>}, {pipeline_mode = #tpu.pipeline_mode<synchronous>, transform_indices = @transform_6, window_bounds = array<i64: 128, 64>}, {pipeline_mode = #tpu.pipeline_mode<synchronous>, transform_indices = @transform_7, window_bounds = array<i64: 128, 128>}, {pipeline_mode = #tpu.pipeline_mode<synchronous>, transform_indices = @transform_8, window_bounds = array<i64: 1, 128>}, {pipeline_mode = #tpu.pipeline_mode<synchronous>, transform_indices = @transform_9, window_bounds = array<i64: 128, 128>}, {pipeline_mode = #tpu.pipeline_mode<synchronous>, transform_indices = @transform_10, window_bounds = array<i64: 1, 128>}, {transform_indices = @transform_11, window_bounds = array<i64: 2000, 1>}, {pipeline_mode = #tpu.pipeline_mode<synchronous>, transform_indices = @transform_12, window_bounds = array<i64: 256, 1>}, {pipeline_mode = #tpu.pipeline_mode<synchronous>, transform_indices = @transform_13, window_bounds = array<i64: 256, 128>}, {pipeline_mode = #tpu.pipeline_mode<synchronous>, transform_indices = @transform_14, window_bounds = array<i64: 1, 128>}, {pipeline_mode = #tpu.pipeline_mode<synchronous>, transform_indices = @transform_15, window_bounds = array<i64: 128, 1>}, {pipeline_mode = #tpu.pipeline_mode<synchronous>, transform_indices = @transform_16, window_bounds = array<i64: 1, 1>}, {pipeline_mode = #tpu.pipeline_mode<synchronous>, transform_indices = @transform_17, window_bounds = array<i64: 256, 256>}, {pipeline_mode = #tpu.pipeline_mode<synchronous>, transform_indices = @transform_18, window_bounds = array<i64: 1, 256>}, {pipeline_mode = #tpu.pipeline_mode<synchronous>, transform_indices = @transform_19, window_bounds = array<i64: 256, 256>}, {pipeline_mode = #tpu.pipeline_mode<synchronous>, transform_indices = @transform_20, window_bounds = array<i64: 1, 256>}, {pipeline_mode = #tpu.pipeline_mode<synchronous>, transform_indices = @transform_21, window_bounds = array<i64: 256, 1000>}, {pipeline_mode = #tpu.pipeline_mode<synchronous>, transform_indices = @transform_22, window_bounds = array<i64: 1, 1000>}, {pipeline_mode = #tpu.pipeline_mode<synchronous>, transform_indices = @transform_23, window_bounds = array<i64: 32, 1001>}]} {
    %get3A = arith.constant 0 : index
    %get3A_0 = arith.constant 0 : index
    %get3A_1 = vector.load %arg2[%get3A, %get3A_0] : memref<2000x128xf32, #tpu.memory_space<vmem>>, vector<2000x128xf32>
    %get3A_2 = arith.constant 0 : index
    %get3A_3 = arith.constant 0 : index
    %get3A_4 = vector.load %arg3[%get3A_2, %get3A_3] : memref<2000x128xf32, #tpu.memory_space<vmem>>, vector<2000x128xf32>
    %get3A_5 = arith.constant 0 : index
    %get3A_6 = arith.constant 0 : index
    %get3A_7 = vector.load %arg1[%get3A_5, %get3A_6] : memref<2000x384xf32, #tpu.memory_space<vmem>>, vector<2000x384xf32>
    %get3A_8 = arith.constant 0 : index
    %get3A_9 = arith.constant 0 : index
    %get3A_10 = vector.load %arg6[%get3A_8, %get3A_9] : memref<128x384xf32, #tpu.memory_space<vmem>>, vector<128x384xf32>
    %dot_general3A = arith.constant dense<0.000000e+00> : vector<2000x384xf32>
    %dot_general3A_11 = tpu.matmul %get3A_1, %get3A_10, %dot_general3A {dimension_numbers = #tpu.dot_dimension_numbers<[1], [0], [0], [1], [0, 0, 1, 1], [], []>, transpose_lhs_hint = false} : vector<2000x128xf32>, vector<128x384xf32>, vector<2000x384xf32> -> vector<2000x384xf32>
    %add3A = arith.addf %get3A_7, %dot_general3A_11 : vector<2000x384xf32>
    %slice3A = vector.extract_strided_slice %add3A {offsets = [0, 0], sizes = [2000, 128], strides = [1, 1]} : vector<2000x384xf32> to vector<2000x128xf32>
    %slice3A_12 = vector.extract_strided_slice %add3A {offsets = [0, 128], sizes = [2000, 128], strides = [1, 1]} : vector<2000x384xf32> to vector<2000x128xf32>
    %slice3A_13 = vector.extract_strided_slice %add3A {offsets = [0, 256], sizes = [2000, 128], strides = [1, 1]} : vector<2000x384xf32> to vector<2000x128xf32>
    %logistic3A = arith.negf %slice3A : vector<2000x128xf32>
    %logistic3A_14 = math.exp %logistic3A : vector<2000x128xf32>
    %logistic3A_15 = arith.constant 1.000000e+00 : f32
    %logistic3A_16 = vector.broadcast %logistic3A_15 : f32 to vector<2000x128xf32>
    %logistic3A_17 = arith.addf %logistic3A_16, %logistic3A_14 : vector<2000x128xf32>
    %logistic3A_18 = arith.divf %logistic3A_16, %logistic3A_17 : vector<2000x128xf32>
    %tanh3A = math.tanh %slice3A_13 : vector<2000x128xf32>
    %mul3A = arith.mulf %logistic3A_18, %tanh3A : vector<2000x128xf32>
    %add3A_19 = arith.addf %mul3A, %get3A_4 : vector<2000x128xf32>
    %logistic3A_20 = arith.negf %slice3A_12 : vector<2000x128xf32>
    %logistic3A_21 = math.exp %logistic3A_20 : vector<2000x128xf32>
    %logistic3A_22 = arith.constant 1.000000e+00 : f32
    %logistic3A_23 = vector.broadcast %logistic3A_22 : f32 to vector<2000x128xf32>
    %logistic3A_24 = arith.addf %logistic3A_23, %logistic3A_21 : vector<2000x128xf32>
    %logistic3A_25 = arith.divf %logistic3A_23, %logistic3A_24 : vector<2000x128xf32>
    %tanh3A_26 = math.tanh %add3A_19 : vector<2000x128xf32>
    %mul3A_27 = arith.mulf %logistic3A_25, %tanh3A_26 : vector<2000x128xf32>
    %get3A_28 = arith.constant 0 : index
    %get3A_29 = arith.constant 0 : index
    %get3A_30 = vector.load %arg7[%get3A_28, %get3A_29] : memref<128x64xf32, #tpu.memory_space<vmem>>, vector<128x64xf32>
    %dot_general3A_31 = arith.constant dense<0.000000e+00> : vector<2000x64xf32>
    %dot_general3A_32 = tpu.matmul %mul3A_27, %get3A_30, %dot_general3A_31 {dimension_numbers = #tpu.dot_dimension_numbers<[1], [0], [0], [1], [0, 0, 1, 1], [], []>, transpose_lhs_hint = false} : vector<2000x128xf32>, vector<128x64xf32>, vector<2000x64xf32> -> vector<2000x64xf32>
    %get3A_33 = arith.constant 0 : index
    %get3A_34 = arith.constant 0 : index
    %get3A_35 = vector.load %arg4[%get3A_33, %get3A_34] : memref<2000x128xf32, #tpu.memory_space<vmem>>, vector<2000x128xf32>
    %get3A_36 = arith.constant 0 : index
    %get3A_37 = arith.constant 0 : index
    %get3A_38 = vector.load %arg5[%get3A_36, %get3A_37] : memref<2000x128xf32, #tpu.memory_space<vmem>>, vector<2000x128xf32>
    %get3A_39 = arith.constant 0 : index
    %get3A_40 = arith.constant 0 : index
    %get3A_41 = vector.load %arg1[%get3A_39, %get3A_40] : memref<2000x384xf32, #tpu.memory_space<vmem>>, vector<2000x384xf32>
    %get3A_42 = arith.constant 0 : index
    %get3A_43 = arith.constant 0 : index
    %get3A_44 = vector.load %arg6[%get3A_42, %get3A_43] : memref<128x384xf32, #tpu.memory_space<vmem>>, vector<128x384xf32>
    %dot_general3A_45 = arith.constant dense<0.000000e+00> : vector<2000x384xf32>
    %dot_general3A_46 = tpu.matmul %get3A_35, %get3A_44, %dot_general3A_45 {dimension_numbers = #tpu.dot_dimension_numbers<[1], [0], [0], [1], [0, 0, 1, 1], [], []>, transpose_lhs_hint = false} : vector<2000x128xf32>, vector<128x384xf32>, vector<2000x384xf32> -> vector<2000x384xf32>
    %add3A_47 = arith.addf %get3A_41, %dot_general3A_46 : vector<2000x384xf32>
    %slice3A_48 = vector.extract_strided_slice %add3A_47 {offsets = [0, 0], sizes = [2000, 128], strides = [1, 1]} : vector<2000x384xf32> to vector<2000x128xf32>
    %slice3A_49 = vector.extract_strided_slice %add3A_47 {offsets = [0, 128], sizes = [2000, 128], strides = [1, 1]} : vector<2000x384xf32> to vector<2000x128xf32>
    %slice3A_50 = vector.extract_strided_slice %add3A_47 {offsets = [0, 256], sizes = [2000, 128], strides = [1, 1]} : vector<2000x384xf32> to vector<2000x128xf32>
    %logistic3A_51 = arith.negf %slice3A_48 : vector<2000x128xf32>
    %logistic3A_52 = math.exp %logistic3A_51 : vector<2000x128xf32>
    %logistic3A_53 = arith.constant 1.000000e+00 : f32
    %logistic3A_54 = vector.broadcast %logistic3A_53 : f32 to vector<2000x128xf32>
    %logistic3A_55 = arith.addf %logistic3A_54, %logistic3A_52 : vector<2000x128xf32>
    %logistic3A_56 = arith.divf %logistic3A_54, %logistic3A_55 : vector<2000x128xf32>
    %tanh3A_57 = math.tanh %slice3A_50 : vector<2000x128xf32>
    %mul3A_58 = arith.mulf %logistic3A_56, %tanh3A_57 : vector<2000x128xf32>
    %add3A_59 = arith.addf %mul3A_58, %get3A_38 : vector<2000x128xf32>
    %logistic3A_60 = arith.negf %slice3A_49 : vector<2000x128xf32>
    %logistic3A_61 = math.exp %logistic3A_60 : vector<2000x128xf32>
    %logistic3A_62 = arith.constant 1.000000e+00 : f32
    %logistic3A_63 = vector.broadcast %logistic3A_62 : f32 to vector<2000x128xf32>
    %logistic3A_64 = arith.addf %logistic3A_63, %logistic3A_61 : vector<2000x128xf32>
    %logistic3A_65 = arith.divf %logistic3A_63, %logistic3A_64 : vector<2000x128xf32>
    %tanh3A_66 = math.tanh %add3A_59 : vector<2000x128xf32>
    %mul3A_67 = arith.mulf %logistic3A_65, %tanh3A_66 : vector<2000x128xf32>
    %get3A_68 = arith.constant 0 : index
    %get3A_69 = arith.constant 0 : index
    %get3A_70 = vector.load %arg7[%get3A_68, %get3A_69] : memref<128x64xf32, #tpu.memory_space<vmem>>, vector<128x64xf32>
    %dot_general3A_71 = arith.constant dense<0.000000e+00> : vector<2000x64xf32>
    %dot_general3A_72 = tpu.matmul %mul3A_67, %get3A_70, %dot_general3A_71 {dimension_numbers = #tpu.dot_dimension_numbers<[1], [0], [0], [1], [0, 0, 1, 1], [], []>, transpose_lhs_hint = false} : vector<2000x128xf32>, vector<128x64xf32>, vector<2000x64xf32> -> vector<2000x64xf32>
    %concatenate3A = tpu.concatenate %dot_general3A_32, %dot_general3A_72 in 1 : vector<2000x64xf32>, vector<2000x64xf32> -> vector<2000x128xf32>
    %get3A_73 = arith.constant 0 : index
    %get3A_74 = arith.constant 0 : index
    %get3A_75 = vector.load %arg8[%get3A_73, %get3A_74] : memref<128x128xf32, #tpu.memory_space<vmem>>, vector<128x128xf32>
    %dot_general3A_76 = arith.constant dense<0.000000e+00> : vector<2000x128xf32>
    %dot_general3A_77 = tpu.matmul %concatenate3A, %get3A_75, %dot_general3A_76 {dimension_numbers = #tpu.dot_dimension_numbers<[1], [0], [0], [1], [0, 0, 1, 1], [], []>, transpose_lhs_hint = false} : vector<2000x128xf32>, vector<128x128xf32>, vector<2000x128xf32> -> vector<2000x128xf32>
    %get3A_78 = arith.constant 0 : index
    %get3A_79 = arith.constant 0 : index
    %get3A_80 = vector.load %arg9[%get3A_78, %get3A_79] : memref<1x128xf32, #tpu.memory_space<vmem>>, vector<1x128xf32>
    %add3A_81 = vector.broadcast %get3A_80 : vector<1x128xf32> to vector<2000x128xf32>
    %add3A_82 = arith.addf %dot_general3A_77, %add3A_81 : vector<2000x128xf32>
    %max3A = arith.constant 0.000000e+00 : f32
    %max3A_83 = vector.broadcast %max3A : f32 to vector<2000x128xf32>
    %max3A_84 = arith.maximumf %add3A_82, %max3A_83 : vector<2000x128xf32>
    %get3A_85 = arith.constant 0 : index
    %get3A_86 = arith.constant 0 : index
    %get3A_87 = vector.load %arg10[%get3A_85, %get3A_86] : memref<128x128xf32, #tpu.memory_space<vmem>>, vector<128x128xf32>
    %dot_general3A_88 = arith.constant dense<0.000000e+00> : vector<2000x128xf32>
    %dot_general3A_89 = tpu.matmul %max3A_84, %get3A_87, %dot_general3A_88 {dimension_numbers = #tpu.dot_dimension_numbers<[1], [0], [0], [1], [0, 0, 1, 1], [], []>, transpose_lhs_hint = false} : vector<2000x128xf32>, vector<128x128xf32>, vector<2000x128xf32> -> vector<2000x128xf32>
    %add3A_90 = arith.addf %concatenate3A, %dot_general3A_89 : vector<2000x128xf32>
    %get3A_91 = arith.constant 0 : index
    %get3A_92 = arith.constant 0 : index
    %get3A_93 = vector.load %arg11[%get3A_91, %get3A_92] : memref<1x128xf32, #tpu.memory_space<vmem>>, vector<1x128xf32>
    %add3A_94 = vector.broadcast %get3A_93 : vector<1x128xf32> to vector<2000x128xf32>
    %add3A_95 = arith.addf %add3A_90, %add3A_94 : vector<2000x128xf32>
    %max3A_96 = arith.constant 0.000000e+00 : f32
    %max3A_97 = vector.broadcast %max3A_96 : f32 to vector<2000x128xf32>
    %max3A_98 = arith.maximumf %add3A_95, %max3A_97 : vector<2000x128xf32>
    %get3A_99 = arith.constant 0 : index
    %get3A_100 = arith.constant 0 : index
    %get3A_101 = vector.load %arg12[%get3A_99, %get3A_100] : memref<2000x1xi32, #tpu.memory_space<vmem>>, vector<2000x1xi32>
    %iota3A = tpu.iota {dimensions = array<i32: 1>} : vector<2000x256xi32>
    %eq3A = vector.broadcast %get3A_101 : vector<2000x1xi32> to vector<2000x256xi32>
    %eq3A_102 = arith.cmpi eq, %eq3A, %iota3A : vector<2000x256xi32>
    %convert_element_type3A = arith.extui %eq3A_102 : vector<2000x256xi1> to vector<2000x256xi32>
    %convert_element_type3A_103 = arith.sitofp %convert_element_type3A : vector<2000x256xi32> to vector<2000x256xf32>
    %dot_general3A_104 = arith.constant dense<0.000000e+00> : vector<256x128xf32>
    %dot_general3A_105 = tpu.matmul %convert_element_type3A_103, %max3A_98, %dot_general3A_104 {dimension_numbers = #tpu.dot_dimension_numbers<[0], [0], [1], [1], [0, 1, 1, 1], [], []>, transpose_lhs_hint = false} : vector<2000x256xf32>, vector<2000x128xf32>, vector<256x128xf32> -> vector<256x128xf32>
    %eq3A_106 = arith.constant 0 : i32
    %eq3A_107 = arith.cmpi eq, %arg0, %eq3A_106 : i32
    %convert_element_type3A_108 = arith.extui %eq3A_107 : i1 to i32
    %cond3A = arith.constant 0 : i32
    %cond3A_109 = arith.cmpi ne, %convert_element_type3A_108, %cond3A : i32
    scf.if %cond3A_109 {
      %swap3A = arith.constant 0 : index
      %swap3A_119 = arith.constant 0 : index
      %swap3A_120 = vector.load %arg25[%swap3A, %swap3A_119] : memref<256x128xf32, #tpu.memory_space<vmem>>, vector<256x128xf32>
      tpu.vector_store %arg25[%swap3A, %swap3A_119], %dot_general3A_105 {strides = array<i32>} : memref<256x128xf32, #tpu.memory_space<vmem>>, vector<256x128xf32>,
    } else {
    }
    %ne3A = arith.constant 0 : i32
    %ne3A_110 = arith.cmpi ne, %arg0, %ne3A : i32
    %convert_element_type3A_111 = arith.extui %ne3A_110 : i1 to i32
    %cond3A_112 = arith.constant 0 : i32
    %cond3A_113 = arith.cmpi ne, %convert_element_type3A_111, %cond3A_112 : i32
    scf.if %cond3A_113 {
      %get3A_119 = arith.constant 0 : index
      %get3A_120 = arith.constant 0 : index
      %get3A_121 = vector.load %arg25[%get3A_119, %get3A_120] : memref<256x128xf32, #tpu.memory_space<vmem>>, vector<256x128xf32>
      %add3A_122 = arith.addf %get3A_121, %dot_general3A_105 : vector<256x128xf32>
      %swap3A = arith.constant 0 : index
      %swap3A_123 = arith.constant 0 : index
      %swap3A_124 = vector.load %arg25[%swap3A, %swap3A_123] : memref<256x128xf32, #tpu.memory_space<vmem>>, vector<256x128xf32>
      tpu.vector_store %arg25[%swap3A, %swap3A_123], %add3A_122 {strides = array<i32>} : memref<256x128xf32, #tpu.memory_space<vmem>>, vector<256x128xf32>,
    } else {
    }
    %eq3A_114 = arith.constant 4 : i32
    %eq3A_115 = arith.cmpi eq, %arg0, %eq3A_114 : i32
    %convert_element_type3A_116 = arith.extui %eq3A_115 : i1 to i32
    %cond3A_117 = arith.constant 0 : i32
    %cond3A_118 = arith.cmpi ne, %convert_element_type3A_116, %cond3A_117 : i32
    scf.if %cond3A_118 {
      %get3A_119 = arith.constant 0 : index
      %get3A_120 = arith.constant 0 : index
      %get3A_121 = vector.load %arg13[%get3A_119, %get3A_120] : memref<256x1xi32, #tpu.memory_space<vmem>>, vector<256x1xi32>
      %iota3A_122 = tpu.iota {dimensions = array<i32: 1>} : vector<256x32xi32>
      %eq3A_123 = vector.broadcast %get3A_121 : vector<256x1xi32> to vector<256x32xi32>
      %eq3A_124 = arith.cmpi eq, %eq3A_123, %iota3A_122 : vector<256x32xi32>
      %convert_element_type3A_125 = arith.extui %eq3A_124 : vector<256x32xi1> to vector<256x32xi32>
      %convert_element_type3A_126 = arith.sitofp %convert_element_type3A_125 : vector<256x32xi32> to vector<256x32xf32>
      %get3A_127 = arith.constant 0 : index
      %get3A_128 = arith.constant 0 : index
      %get3A_129 = vector.load %arg25[%get3A_127, %get3A_128] : memref<256x128xf32, #tpu.memory_space<vmem>>, vector<256x128xf32>
      %dot_general3A_130 = arith.constant dense<0.000000e+00> : vector<32x128xf32>
      %dot_general3A_131 = tpu.matmul %convert_element_type3A_126, %get3A_129, %dot_general3A_130 {dimension_numbers = #tpu.dot_dimension_numbers<[0], [0], [1], [1], [0, 1, 1, 1], [], []>, transpose_lhs_hint = false} : vector<256x32xf32>, vector<256x128xf32>, vector<32x128xf32> -> vector<32x128xf32>
      %broadcast_in_dim3A = arith.constant 0.000000e+00 : f32
      %broadcast_in_dim3A_132 = vector.broadcast %broadcast_in_dim3A : f32 to vector<32x128xf32>
      %concatenate3A_133 = tpu.concatenate %dot_general3A_131, %broadcast_in_dim3A_132 in 1 : vector<32x128xf32>, vector<32x128xf32> -> vector<32x256xf32>
      %get3A_134 = arith.constant 0 : index
      %get3A_135 = arith.constant 0 : index
      %get3A_136 = vector.load %arg14[%get3A_134, %get3A_135] : memref<256x128xf32, #tpu.memory_space<vmem>>, vector<256x128xf32>
      %dot_general3A_137 = arith.constant dense<0.000000e+00> : vector<32x128xf32>
      %dot_general3A_138 = tpu.matmul %concatenate3A_133, %get3A_136, %dot_general3A_137 {dimension_numbers = #tpu.dot_dimension_numbers<[1], [0], [0], [1], [0, 0, 1, 1], [], []>, transpose_lhs_hint = false} : vector<32x256xf32>, vector<256x128xf32>, vector<32x128xf32> -> vector<32x128xf32>
      %get3A_139 = arith.constant 0 : index
      %get3A_140 = arith.constant 0 : index
      %get3A_141 = vector.load %arg15[%get3A_139, %get3A_140] : memref<1x128xf32, #tpu.memory_space<vmem>>, vector<1x128xf32>
      %add3A_142 = vector.broadcast %get3A_141 : vector<1x128xf32> to vector<32x128xf32>
      %add3A_143 = arith.addf %dot_general3A_138, %add3A_142 : vector<32x128xf32>
      %max3A_144 = arith.constant 0.000000e+00 : f32
      %max3A_145 = vector.broadcast %max3A_144 : f32 to vector<32x128xf32>
      %max3A_146 = arith.maximumf %add3A_143, %max3A_145 : vector<32x128xf32>
      %get3A_147 = arith.constant 0 : index
      %get3A_148 = arith.constant 0 : index
      %get3A_149 = vector.load %arg16[%get3A_147, %get3A_148] : memref<128x1xf32, #tpu.memory_space<vmem>>, vector<128x1xf32>
      %dot_general3A_150 = arith.constant dense<0.000000e+00> : vector<32x1xf32>
      %dot_general3A_151 = tpu.matmul %max3A_146, %get3A_149, %dot_general3A_150 {dimension_numbers = #tpu.dot_dimension_numbers<[1], [0], [0], [1], [0, 0, 1, 1], [], []>, transpose_lhs_hint = false} : vector<32x128xf32>, vector<128x1xf32>, vector<32x1xf32> -> vector<32x1xf32>
      %get3A_152 = arith.constant 0 : index
      %get3A_153 = arith.constant 0 : index
      %get3A_154 = vector.load %arg17[%get3A_152, %get3A_153] : memref<1x1xf32, #tpu.memory_space<vmem>>, vector<1x1xf32>
      %add3A_155 = vector.broadcast %get3A_154 : vector<1x1xf32> to vector<32x1xf32>
      %add3A_156 = arith.addf %dot_general3A_151, %add3A_155 : vector<32x1xf32>
      %get3A_157 = arith.constant 0 : index
      %get3A_158 = arith.constant 0 : index
      %get3A_159 = vector.load %arg18[%get3A_157, %get3A_158] : memref<256x256xf32, #tpu.memory_space<vmem>>, vector<256x256xf32>
      %dot_general3A_160 = arith.constant dense<0.000000e+00> : vector<32x256xf32>
      %dot_general3A_161 = tpu.matmul %concatenate3A_133, %get3A_159, %dot_general3A_160 {dimension_numbers = #tpu.dot_dimension_numbers<[1], [0], [0], [1], [0, 0, 1, 1], [], []>, transpose_lhs_hint = false} : vector<32x256xf32>, vector<256x256xf32>, vector<32x256xf32> -> vector<32x256xf32>
      %get3A_162 = arith.constant 0 : index
      %get3A_163 = arith.constant 0 : index
      %get3A_164 = vector.load %arg19[%get3A_162, %get3A_163] : memref<1x256xf32, #tpu.memory_space<vmem>>, vector<1x256xf32>
      %add3A_165 = vector.broadcast %get3A_164 : vector<1x256xf32> to vector<32x256xf32>
      %add3A_166 = arith.addf %dot_general3A_161, %add3A_165 : vector<32x256xf32>
      %max3A_167 = arith.constant 0.000000e+00 : f32
      %max3A_168 = vector.broadcast %max3A_167 : f32 to vector<32x256xf32>
      %max3A_169 = arith.maximumf %add3A_166, %max3A_168 : vector<32x256xf32>
      %get3A_170 = arith.constant 0 : index
      %get3A_171 = arith.constant 0 : index
      %get3A_172 = vector.load %arg20[%get3A_170, %get3A_171] : memref<256x256xf32, #tpu.memory_space<vmem>>, vector<256x256xf32>
      %dot_general3A_173 = arith.constant dense<0.000000e+00> : vector<32x256xf32>
      %dot_general3A_174 = tpu.matmul %max3A_169, %get3A_172, %dot_general3A_173 {dimension_numbers = #tpu.dot_dimension_numbers<[1], [0], [0], [1], [0, 0, 1, 1], [], []>, transpose_lhs_hint = false} : vector<32x256xf32>, vector<256x256xf32>, vector<32x256xf32> -> vector<32x256xf32>
      %add3A_175 = arith.addf %concatenate3A_133, %dot_general3A_174 : vector<32x256xf32>
      %get3A_176 = arith.constant 0 : index
      %get3A_177 = arith.constant 0 : index
      %get3A_178 = vector.load %arg21[%get3A_176, %get3A_177] : memref<1x256xf32, #tpu.memory_space<vmem>>, vector<1x256xf32>
      %add3A_179 = vector.broadcast %get3A_178 : vector<1x256xf32> to vector<32x256xf32>
      %add3A_180 = arith.addf %add3A_175, %add3A_179 : vector<32x256xf32>
      %max3A_181 = arith.constant 0.000000e+00 : f32
      %max3A_182 = vector.broadcast %max3A_181 : f32 to vector<32x256xf32>
      %max3A_183 = arith.maximumf %add3A_180, %max3A_182 : vector<32x256xf32>
      %max3A_184 = arith.constant 0.000000e+00 : f32
      %max3A_185 = vector.broadcast %max3A_184 : f32 to vector<32x256xf32>
      %max3A_186 = arith.maximumf %max3A_183, %max3A_185 : vector<32x256xf32>
      %get3A_187 = arith.constant 0 : index
      %get3A_188 = arith.constant 0 : index
      %get3A_189 = vector.load %arg22[%get3A_187, %get3A_188] : memref<256x1000xf32, #tpu.memory_space<vmem>>, vector<256x1000xf32>
      %dot_general3A_190 = arith.constant dense<0.000000e+00> : vector<32x1000xf32>
      %dot_general3A_191 = tpu.matmul %max3A_186, %get3A_189, %dot_general3A_190 {dimension_numbers = #tpu.dot_dimension_numbers<[1], [0], [0], [1], [0, 0, 1, 1], [], []>, transpose_lhs_hint = false} : vector<32x256xf32>, vector<256x1000xf32>, vector<32x1000xf32> -> vector<32x1000xf32>
      %get3A_192 = arith.constant 0 : index
      %get3A_193 = arith.constant 0 : index
      %get3A_194 = vector.load %arg23[%get3A_192, %get3A_193] : memref<1x1000xf32, #tpu.memory_space<vmem>>, vector<1x1000xf32>
      %add3A_195 = vector.broadcast %get3A_194 : vector<1x1000xf32> to vector<32x1000xf32>
      %add3A_196 = arith.addf %dot_general3A_191, %add3A_195 : vector<32x1000xf32>
      %concatenate3A_197 = tpu.concatenate %add3A_156, %add3A_196 in 1 : vector<32x1xf32>, vector<32x1000xf32> -> vector<32x1001xf32>
      %swap3A = arith.constant 0 : index
      %swap3A_198 = arith.constant 0 : index
      %swap3A_199 = vector.load %arg24[%swap3A, %swap3A_198] : memref<32x1001xf32, #tpu.memory_space<vmem>>, vector<32x1001xf32>
      tpu.vector_store %arg24[%swap3A, %swap3A_198], %concatenate3A_197 {strides = array<i32>} : memref<32x1001xf32, #tpu.memory_space<vmem>>, vector<32x1001xf32>,
    } else {
    }
    return
  }
  func.func @transform_0(%arg0: i32) -> (i32, i32) {
    %c0_i32 = arith.constant 0 : i32
    %c0_i32_0 = arith.constant 0 : i32
    return %arg0, %c0_i32 : i32, i32
  }
  func.func @transform_1(%arg0: i32) -> (i32, i32) {
    %c0_i32 = arith.constant 0 : i32
    %c0_i32_0 = arith.constant 0 : i32
    return %arg0, %c0_i32 : i32, i32
  }
  func.func @transform_2(%arg0: i32) -> (i32, i32) {
    %c0_i32 = arith.constant 0 : i32
    %c0_i32_0 = arith.constant 0 : i32
    return %arg0, %c0_i32 : i32, i32
  }
  func.func @transform_3(%arg0: i32) -> (i32, i32) {
    %c0_i32 = arith.constant 0 : i32
    %c0_i32_0 = arith.constant 0 : i32
    return %arg0, %c0_i32 : i32, i32
  }
  func.func @transform_4(%arg0: i32) -> (i32, i32) {
    %c0_i32 = arith.constant 0 : i32
    %c0_i32_0 = arith.constant 0 : i32
    return %arg0, %c0_i32 : i32, i32
  }
  func.func @transform_5(%arg0: i32) -> (i32, i32) {
    %c0_i32 = arith.constant 0 : i32
    %c0_i32_0 = arith.constant 0 : i32
    %c0_i32_1 = arith.constant 0 : i32
    return %c0_i32, %c0_i32_0 : i32, i32
  }
  func.func @transform_6(%arg0: i32) -> (i32, i32) {
    %c0_i32 = arith.constant 0 : i32
    %c0_i32_0 = arith.constant 0 : i32
    %c0_i32_1 = arith.constant 0 : i32
    return %c0_i32, %c0_i32_0 : i32, i32
  }
  func.func @transform_7(%arg0: i32) -> (i32, i32) {
    %c0_i32 = arith.constant 0 : i32
    %c0_i32_0 = arith.constant 0 : i32
    %c0_i32_1 = arith.constant 0 : i32
    return %c0_i32, %c0_i32_0 : i32, i32
  }
  func.func @transform_8(%arg0: i32) -> (i32, i32) {
    %c0_i32 = arith.constant 0 : i32
    %c0_i32_0 = arith.constant 0 : i32
    %c0_i32_1 = arith.constant 0 : i32
    return %c0_i32, %c0_i32_0 : i32, i32
  }
  func.func @transform_9(%arg0: i32) -> (i32, i32) {
    %c0_i32 = arith.constant 0 : i32
    %c0_i32_0 = arith.constant 0 : i32
    %c0_i32_1 = arith.constant 0 : i32
    return %c0_i32, %c0_i32_0 : i32, i32
  }
  func.func @transform_10(%arg0: i32) -> (i32, i32) {
    %c0_i32 = arith.constant 0 : i32
    %c0_i32_0 = arith.constant 0 : i32
    %c0_i32_1 = arith.constant 0 : i32
    return %c0_i32, %c0_i32_0 : i32, i32
  }
  func.func @transform_11(%arg0: i32) -> (i32, i32) {
    %c0_i32 = arith.constant 0 : i32
    %c0_i32_0 = arith.constant 0 : i32
    return %arg0, %c0_i32 : i32, i32
  }
  func.func @transform_12(%arg0: i32) -> (i32, i32) {
    %c0_i32 = arith.constant 0 : i32
    %c0_i32_0 = arith.constant 0 : i32
    %c0_i32_1 = arith.constant 0 : i32
    return %c0_i32, %c0_i32_0 : i32, i32
  }
  func.func @transform_13(%arg0: i32) -> (i32, i32) {
    %c0_i32 = arith.constant 0 : i32
    %c0_i32_0 = arith.constant 0 : i32
    %c0_i32_1 = arith.constant 0 : i32
    return %c0_i32, %c0_i32_0 : i32, i32
  }
  func.func @transform_14(%arg0: i32) -> (i32, i32) {
    %c0_i32 = arith.constant 0 : i32
    %c0_i32_0 = arith.constant 0 : i32
    %c0_i32_1 = arith.constant 0 : i32
    return %c0_i32, %c0_i32_0 : i32, i32
  }
  func.func @transform_15(%arg0: i32) -> (i32, i32) {
    %c0_i32 = arith.constant 0 : i32
    %c0_i32_0 = arith.constant 0 : i32
    %c0_i32_1 = arith.constant 0 : i32
    return %c0_i32, %c0_i32_0 : i32, i32
  }
  func.func @transform_16(%arg0: i32) -> (i32, i32) {
    %c0_i32 = arith.constant 0 : i32
    %c0_i32_0 = arith.constant 0 : i32
    %c0_i32_1 = arith.constant 0 : i32
    return %c0_i32, %c0_i32_0 : i32, i32
  }
  func.func @transform_17(%arg0: i32) -> (i32, i32) {
    %c0_i32 = arith.constant 0 : i32
    %c0_i32_0 = arith.constant 0 : i32
    %c0_i32_1 = arith.constant 0 : i32
    return %c0_i32, %c0_i32_0 : i32, i32
  }
  func.func @transform_18(%arg0: i32) -> (i32, i32) {
    %c0_i32 = arith.constant 0 : i32
    %c0_i32_0 = arith.constant 0 : i32
    %c0_i32_1 = arith.constant 0 : i32
    return %c0_i32, %c0_i32_0 : i32, i32
  }
  func.func @transform_19(%arg0: i32) -> (i32, i32) {
    %c0_i32 = arith.constant 0 : i32
    %c0_i32_0 = arith.constant 0 : i32
    %c0_i32_1 = arith.constant 0 : i32
    return %c0_i32, %c0_i32_0 : i32, i32
  }
  func.func @transform_20(%arg0: i32) -> (i32, i32) {
    %c0_i32 = arith.constant 0 : i32
    %c0_i32_0 = arith.constant 0 : i32
    %c0_i32_1 = arith.constant 0 : i32
    return %c0_i32, %c0_i32_0 : i32, i32
  }
  func.func @transform_21(%arg0: i32) -> (i32, i32) {
    %c0_i32 = arith.constant 0 : i32
    %c0_i32_0 = arith.constant 0 : i32
    %c0_i32_1 = arith.constant 0 : i32
    return %c0_i32, %c0_i32_0 : i32, i32
  }
  func.func @transform_22(%arg0: i32) -> (i32, i32) {
    %c0_i32 = arith.constant 0 : i32
    %c0_i32_0 = arith.constant 0 : i32
    %c0_i32_1 = arith.constant 0 : i32
    return %c0_i32, %c0_i32_0 : i32, i32
  }
  func.func @transform_23(%arg0: i32) -> (i32, i32) {
    %c0_i32 = arith.constant 0 : i32
    %c0_i32_0 = arith.constant 0 : i32
    %c0_i32_1 = arith.constant 0 : i32
    return %c0_i32, %c0_i32_0 : i32, i32
  }
}

</mosaic_0001>

<sc_bundles>
// kernel: kernel.5.cloned.1.call-start
scs
__scs_entry_jumppad:
0x0: {  	(pc) =	sbr.rel $0x88, $3  }
0x1: {  	(tag) =	ssettag $0x0;
	lr =	simm.s32 $0x1  }
0x2: {  	[smem:$0x3F86] =	sst lr;
	_ =	strace $0xD0000000  }
0x3: {  	_ = 	snop  }
0x4: {  	_ = 	snop  }
0x5: {  	_ = 	snop  }
0x6: {  	_ = 	snop  }
0x7: {  	_ = 	snop  }
__scs_overlays_trampoline_lowered:
0x8: {  	[smem:$0x3F95] =	sst s0  }
0x9: {  	[smem:$0x3F96] =	sst s1  }
0xa: {  	[smem:$0x3F97] =	sst s2  }
0xb: {  	[smem:$0x3F98] =	sst s3  }
0xc: {  	[smem:$0x3F99] =	sst s4  }
0xd: {  	[smem:$0x3F9A] =	sst s5  }
0xe: {  	[smem:$0x3F9B] =	sst s6  }
0xf: {  	[smem:$0x3F9C] =	sst s7  }
0x10: {  	[smem:$0x3F9D] =	sst s8  }
0x11: {  	[smem:$0x3F9E] =	sst s9;
	s0 =	simm.s32 @!p0 $0x0  }
0x12: {  	s1 =	sld [smem:$0x3F84];
	s0 =	simm.s32 @p0 $0x1  }
0x13: {  	[smem:$0x3F9F] =	sst s0;
	s0 =	simm.s32 @!p1 $0x0  }
0x14: {  	s2 =	sld [smem:$0x3F83];
	s0 =	simm.s32 @p1 $0x1  }
0x15: {  	[smem:$0x3FA0] =	sst s0;
	s0 =	simm.s32 @!p2 $0x0  }
0x16: {  	s3 =	sld [smem:$0x3FDB];
	s0 =	simm.s32 @p2 $0x1  }
0x17: {  	s4 =	simm.s32 $0x1BF5;
	[smem:$0x3FA2] =	sst s0  }
0x18: {  	s0 =	sld [smem:$0x3F85];
	_ =	swait.ge [sflag:s4], $0x0  }
0x19: {  	s7 =	sld [smem:$0x3F86]  }
0x1a: {  	s8 =	sadd.s32 $0xFFFFE003, lr  }
0x1b: {  	s9 =	sadd.s32 $0xFFFFFEF7, lr;
	s5 =	simm.s32 $0xFFFFFFFF;
	p2 =	slt.u32 s8, $0xFFFFF086  }
0x1c: {  	p1 =	slt.u32 s9, $0xF7A;
	s5 =	simm.s32 @!p2 $0x0  }
0x1d: {  	s5 =	simm.s32 @p1 $0x1;
	p0 =	seq.s32 s7, s2  }
0x1e: {  	s7 =	smul.u32 @!p0 $0xF7A, s2;
	p2 =	seq.s32 @!p0 s5, $0x0  }
0x1f: {  	s9 =	smul.u32 $0xF7A, s1;
	s8 =	simm.s32 @!p0 $0x1BF5;
	p2 =	por !p2, p0  }
0x20: {  	[sflag:s8] =	ssyncset.s32 @!p0 $0xFFFFF086;
	s6 =	sadd.s32 @!p0 s3, s7;
	s7 =	simm.s32 @!p0 $0x108  }
0x21: {  	s3 =	sadd.s32 s3, s9;
	s6 =	sadd.s32 @!p0 $0x88, s6;
	s7 =	simm.s32 @p2 $0x1082  }
0x22: {  	[simem:s7], [sflag:s8] =	dma.local @!p0 [hbm:s6], $0xF7A  }
0x23: {  	s9 =	sor.u32 $0xD0000000, s2;
	s6 =	simm.s32 $0x108;
	_ =	swait.ge @!p0 [sflag:s8], $0x0  }
0x24: {  	s3 =	sadd.s32 $0x88, s3;
	s6 =	simm.s32 @!p1 $0x1082;
	[sflag:s4] =	ssyncset.s32 $0xFFFFF086  }
0x25: {  	[simem:s6], [sflag:s4] =	dma.local [hbm:s3], $0xF7A  }
0x26: {  	[smem:$0x3F86] =	sst s1;
	(tag) =	ssettag s2;
	_ =	strace s9  }
0x27: {  	s1 =	sld [smem:$0x3F96]  }
0x28: {  	s2 =	sld [smem:$0x3F97]  }
0x29: {  	s4 =	sld [smem:$0x3F99]  }
0x2a: {  	p0 =	seq.s32 s5, $0x0;
	s5 =	sld [smem:$0x3F9A]  }
0x2b: {  	s6 =	sld [smem:$0x3F9B]  }
0x2c: {  	s7 =	sld [smem:$0x3F9C]  }
0x2d: {  	s3 =	simm.s32 $0x108;
	s8 =	sld [smem:$0x3F9D]  }
0x2e: {  	s3 =	simm.s32 @!p0 $0x1082;
	s9 =	sld [smem:$0x3F9E]  }
0x2f: {  	lr =	sadd.s32 s0, s3;
	s0 =	sld [smem:$0x3F95]  }
0x30: {  	s3 =	sld [smem:$0x3F98]  }
0x31: {  	[smem:$0x3FA1] =	sst s10  }
0x32: {  	s10 =	sld [smem:$0x3F9F];
	_ =	sdelay $0x3  }
0x33: {  	p0 =	seq.s32 s10, $0x1;
	s10 =	sld [smem:$0x3FA1];
	_ =	sdelay $0x3  }
0x34: {  	[smem:$0x3FA1] =	sst s10  }
0x35: {  	s10 =	sld [smem:$0x3FA0];
	_ =	sdelay $0x3  }
0x36: {  	p1 =	seq.s32 s10, $0x1;
	s10 =	sld [smem:$0x3FA1];
	_ =	sdelay $0x3  }
0x37: {  	[smem:$0x3FA1] =	sst s10  }
0x38: {  	s10 =	sld [smem:$0x3FA2]  }
0x39: {  	_ = 	snop;
	(pc) =	sbr.ind lr, $3  }
0x3a: {  	_ = 	snop  }
0x3b: {  	_ = 	snop  }
0x3c: {  	p2 =	seq.s32 s10, $0x1;
	s10 =	sld [smem:$0x3FA1]  }
0x3d: {  	_ =	shalt  }
0x3e: {  	_ =	shalt  }
0x3f: {  	_ =	shalt  }
0x40: {  	_ =	shalt  }
0x41: {  	_ =	shalt  }
0x42: {  	_ =	shalt  }
0x43: {  	_ =	shalt  }
0x44: {  	_ =	shalt  }
0x45: {  	_ =	shalt  }
0x46: {  	_ =	shalt  }
0x47: {  	_ =	shalt  }
0x48: {  	_ =	shalt  }
0x49: {  	_ =	shalt  }
0x4a: {  	_ =	shalt  }
0x4b: {  	_ =	shalt  }
0x4c: {  	_ =	shalt  }
0x4d: {  	_ =	shalt  }
0x4e: {  	_ =	shalt  }
0x4f: {  	_ =	shalt  }
0x50: {  	_ =	shalt  }
0x51: {  	_ =	shalt  }
0x52: {  	_ =	shalt  }
0x53: {  	_ =	shalt  }
0x54: {  	_ =	shalt  }
0x55: {  	_ =	shalt  }
0x56: {  	_ =	shalt  }
0x57: {  	_ =	shalt  }
0x58: {  	_ =	shalt  }
0x59: {  	_ =	shalt  }
0x5a: {  	_ =	shalt  }
0x5b: {  	_ =	shalt  }
0x5c: {  	_ =	shalt  }
0x5d: {  	_ =	shalt  }
0x5e: {  	_ =	shalt  }
0x5f: {  	_ =	shalt  }
0x60: {  	_ =	shalt  }
0x61: {  	_ =	shalt  }
0x62: {  	_ =	shalt  }
0x63: {  	_ =	shalt  }
0x64: {  	_ =	shalt  }
0x65: {  	_ =	shalt  }
0x66: {  	_ =	shalt  }
0x67: {  	_ =	shalt  }
0x68: {  	_ =	shalt  }
0x69: {  	_ =	shalt  }
0x6a: {  	_ =	shalt  }
0x6b: {  	_ =	shalt  }
0x6c: {  	_ =	shalt  }
0x6d: {  	_ =	shalt  }
0x6e: {  	_ =	shalt  }
0x6f: {  	_ =	shalt  }
0x70: {  	_ =	shalt  }
0x71: {  	_ =	shalt  }
0x72: {  	_ =	shalt  }
0x73: {  	_ =	shalt  }
0x74: {  	_ =	shalt  }
0x75: {  	_ =	shalt  }
0x76: {  	_ =	shalt  }
0x77: {  	_ =	shalt  }
0x78: {  	_ =	shalt  }
0x79: {  	_ =	shalt  }
0x7a: {  	_ =	shalt  }
0x7b: {  	_ =	shalt  }
0x7c: {  	_ =	shalt  }
0x7d: {  	_ =	shalt  }
0x7e: {  	_ =	shalt  }
0x7f: {  	_ =	shalt  }
0x80: {  	_ =	shalt  }
0x81: {  	_ =	shalt  }
0x82: {  	_ =	shalt  }
0x83: {  	_ =	shalt  }
0x84: {  	_ =	shalt  }
0x85: {  	_ =	shalt  }
0x86: {  	_ =	shalt  }
0x87: {  	_ =	shalt  }
.Lfunc_end0:
.L_simem_size_0:
called_computation_lowered:
.L_overlay_start_0:
0x88: {  	s2 =	sld [smem:$0x3FD9]  }
0x89: {  	s3 =	sld [smem:$0x3FFE];
	_ =	sdelay $0x1  }
0x8a: {  	s1 =	srdreg.scid  }
0x8b: {  	s0 =	sand.u32 $0x1, s1  }
0x8c: {  	s16 =	sshll.u32 s0, $0xA;
	s2 =	sadd.s32 s3, s2  }
0x8d: {  	s2 =	sadd.s32 s2, s16  }
0x8e: {  	[smem:$0x3FAD] =	sst s2  }
0x8f: {  	_ = 	snop  }
0x90: {  	(tm) =	ssettm $0x1  }
0x91: {  	s17 =	sld [smem:$0x3FFB];
	_ =	sdelay $0x3  }
0x92: {  	_ =	strace s17  }
0x93: {  	s2 =	sld [smem:$0x3FFC];
	_ =	sdelay $0x3  }
0x94: {  	_ =	strace s2  }
0x95: {  	s2 =	sld [smem:$0x3FFD];
	_ =	sdelay $0x3  }
0x96: {  	_ =	strace s2  }
0x97: {  	_ =	strace $0x8FFFFFFF  }
0x98: {  	s18 =	sld [smem:$0x3FDB];
	_ =	sdelay $0x1  }
0x99: {  	s19 =	simm.s32 $_scs_section_size  }
0x9a: {  	s4 =	simm.s32 $_size__tile_overlayer_lowered;
	s5 =	simm.s32 $_tile_overlayer_lowered  }
0x9b: {  	s22 =	simm.s32 $0x1BFF;
	s21 =	sshll.u32 s5, $0x1;
	s2 =	sadd.s32 s19, s18  }
0x9c: {  	s6 =	simm.s32 $0x0;
	s20 =	sshll.u32 s4, $0x1;
	s4 =	sadd.s32 s21, s2  }
0x9d: {  	[timem:s6], [sflag:s22] =	dma.local [hbm:s4], s20  }
0x9e: {  	_ =	swait.ge [sflag:s22], s20  }
0x9f: {  	s3 =	ssub.s32 $0x0, s20;
	[sflag:s22] =	ssyncset.done $0x0  }
0xa0: {  	[sflag:s22] =	ssyncadd.s32 s3;
	_ =	sdelay $0x1  }
0xa1: {  	s23 =	simm.s32 $0x1B8B  }
0xa2: {  	_ =	swait.ge [sflag:s23], $0x1  }
0xa3: {  	[sflag:s23] =	ssyncset.done $0x0  }
0xa4: {  	s25 =	simm.s32 $0x1B8E;
	s24 =	sld [smem:$0x3FFE];
	[sflag:s23] =	ssyncadd.s32 $0xFFFFFFFF  }
0xa5: {  	s26 =	simm.s32 $execute0_lowered;
	[smem:$0x3FD2] =	sst s25  }
0xa6: {  	s4 =	sshll.u32 s26, $0x1;
	_ =	strace $0x80000046;
	[dreg:$0x1] =	wrdreg $0xFFFFFFFF  }
0xa7: {  	s28 =	simm.s32 $_size_execute0_lowered;
	s2 =	sadd.s32 s2, s4;
	[dreg:$0x0] =	wrdreg $0x0  }
0xa8: {  	s4 =	sshll.u32 s28, $0x1;
	[dreg:$0x2] =	wrdreg s2  }
0xa9: {  	[dreg:$0x3] =	wrdreg s4  }
0xaa: {  	[dreg:$0x4] =	wrdreg $0xC0  }
0xab: {  	_ =	task [dreg:s6], $0x5FFFF  }
0xac: {  	[dreg:$0x1] =	wrdreg $0xFFFFFFFF  }
0xad: {  	[dreg:$0x0] =	wrdreg $0x60  }
0xae: {  	[dreg:$0x2] =	wrdreg s24  }
0xaf: {  	[dreg:$0x3] =	wrdreg $0x0  }
0xb0: {  	[dreg:$0x4] =	wrdreg $0x9  }
0xb1: {  	_ =	task.clear_ibuf [dreg:s6], $0x5FFFF;
	_ =	strace $0x90000046  }
0xb2: {  	s29 =	simm.s32 $0x9;
	_ =	strace $0x80000048  }
0xb3: {  	_ =	swait.ge [sflag:s29], $0x1  }
0xb4: {  	[sflag:s29] =	ssyncadd.s32 $0xFFFFFFFF  }
0xb5: {  	_ =	strace $0x90000048  }
0xb6: {  	_ =	sfence  }
0xb7: {  	s30 =	sld [smem:$0x0];
	_ =	sdelay $0x2  }
0xb8: {  	s31 =	sshll.u32 s1, $0xD;
	s1 =	sshrl.u32 s1, $0x2  }
0xb9: {  	s3 =	sand.u32 $0x4000, s31;
	s1 =	sadd.s32 s1, s30  }
0xba: {  	s0 =	sor.u32 s3, s0;
	s1 =	sshll.u32 s1, $0x11  }
0xbb: {  	s0 =	sor.u32 s1, s0  }
0xbc: {  	s0 =	sadd.s32 $0x8F2B, s0  }
0xbd: {  	[sflag:s0] =	ssyncadd.remote.s32 $0x1  }
0xbe: {  	_ =	sfence.sel $0xFFFF  }
0xbf: {  	[dreg:$0x0] =	wrdreg $0xFFFFFFFF;
	(pc) =	sbr.abs _section_cstart, $3  }
0xc0: {  	[dreg:$0x1] =	wrdreg $0xFFFFFFFF  }
0xc1: {  	_ =	task.clear_ibuf [dreg:s6], $0x2FFFF;
	_ =	strace $0x9FFFFFFF  }
0xc2: {  	(tm) =	ssettm $0x7FFFFFFF  }
0xc3: {  	_ =	shalt  }
tec
execute0_lowered:
.L_overlay_start_1:
0x0: {  	(tag) =	ssettag $0x1  }
0x1: {  	s0 =	rddreg [dreg:$0x0]  }
0x2: {  	s1 =	rddreg [dreg:$0x1];
	s2 =	simm.s32 $0x0  }
0x3: {  	s14 =	stileid.u32;
	s3 =	srdreg.scid;
	s28 =	simm.s32 $0x2  }
0x4: {  	s29 =	simm.s32 $0x13880;
	s30 =	simm.s32 $0x13900;
	s31 =	simm.s32 $0x50  }
0x5: {  	[smem:$0x7FF] =	sst s2;
	s4 =	sadd.s32 $0x17E00, s0;
	s5 =	sadd.s32 $0x4400, s0  }
0x6: {  	s6 =	sadd.s32 $0xEEE00, s0;
	s9 =	smul.u32 $0x4E000, s14;
	s7 =	sadd.s32 $0x2B800, s0  }
0x7: {  	s8 =	sadd.s32 $0x116000, s0;
	s10 =	sadd.s32 $0x13D200, s0;
	s17 =	smul.u32 $0x13800, s14  }
0x8: {  	s3 =	sand.u32 $0x1, s3;
	s0 =	sadd.s32 $0x18B400, s0;
	s19 =	smul.u32 $0x4E20, s14  }
0x9: {  	p0 =	sne.s32 s14, $0xF;
	s14 =	simm.s32 $0x18180;
	s9 =	sshrl.u32 s9, $0x2  }
0xa: {  	_ =	strace $0x80000047;
	s11 =	ssub.s32 $0x2, s3;
	s20 =	sadd.s32 s9, s1  }
0xb: {  	s26 =	smul.u32 $0x4E200, s3;
	s13 =	sadd.s32 $0x7800, s20;
	[dreg:$0x3] =	wrdreg s20  }
0xc: {  	s3 =	smul.u32 $0x138800, s3;
	s15 =	sadd.s32 $0xA000, s20;
	[dreg:$0x6] =	wrdreg s13  }
0xd: {  	s12 =	sshrl.u32 s11, $0x1;
	s16 =	sadd.s32 $0xC800, s20;
	[dreg:$0x7] =	wrdreg s15  }
0xe: {  	s25 =	ssub.s32 s11, s12;
	s18 =	sadd.s32 $0x11800, s20;
	[dreg:$0x8] =	wrdreg s16  }
0xf: {  	s12 =	sadd.s32 s17, s3;
	s25 =	smax.u32 s25, $0x1;
	[dreg:$0xa] =	wrdreg s18  }
0x10: {  	s3 =	sshrl.u32 s3, $0x3;
	s21 =	sadd.s32 $0x2800, s20;
	[dreg:$0x10] =	wrdreg s25  }
0x11: {  	s11 =	simm.s32 $0x16980;
	s22 =	sadd.s32 $0x5000, s20;
	[dreg:$0x4] =	wrdreg s21  }
0x12: {  	s23 =	sshrl.u32 s12, $0x3;
	s13 =	sadd.s32 $0xF000, s20;
	[dreg:$0x5] =	wrdreg s22  }
0x13: {  	s3 =	sadd.s32 $0x27000, s3;
	s15 =	sadd.s32 $0x138000, s1;
	[dreg:$0x9] =	wrdreg s13  }
0x14: {  	s18 =	sadd.s32 s19, s26;
	s12 =	sadd.s32 s10, s23;
	[dreg:$0xb] =	wrdreg s15  }
0x15: {  	s10 =	sadd.s32 s10, s3;
	s24 =	sadd.s32 s0, s23;
	[dreg:$0xc] =	wrdreg s12  }
0x16: {  	s0 =	sadd.s32 s0, s3;
	s3 =	simm.s32 $0x1;
	[dreg:$0xd] =	wrdreg s10  }
0x17: {  	s23 =	simm.s32 $0x15980;
	s16 =	simm.s32 $0x0;
	[dreg:$0xe] =	wrdreg s24  }
0x18: {  	v3 =	vlaneseq.u32;
	[dreg:$0xf] =	wrdreg s0;
	s26 =	sshrl.u32 s18, $0x3;
	s0 =	simm.s32 $0x18980  }
0x19: {  	v0 =	vimm.f32 $0.0e+00;
	vm0 =	vmmov $0xffff;
	v2 =	vshrl.u32 v3, $0x3;
	s10 =	simm.s32 $0x16180;
	s12 =	simm.s32 $0x17180;
	s13 =	simm.s32 $0x17980  }
0x1a: {  	v1 =	vand.u32 $0x7, v3;
	v3 =	vor.u32 $0x8, v3;
	v2 =	vmul.u32 $0x8, v2;
	s24 =	sadd.s32 s26, s5;
	s25 =	sadd.s32 s26, s4;
	s26 =	simm.s32 $0x1B180  }
.LBB2_1:
0x1b: {  	s9 =	simm.s32 $0x0;
	s15 =	simm.s32 $0x200  }
.LBB2_2:
0x1c: {  	p1 =	sne.s32 s15, $0x9E00;
	[tilespmem:s9+$0x1B1F0] =	vst v0  }
0x1d: {  	[tilespmem:s9+$0x1B180] =	vst v0  }
0x1e: {  	[tilespmem:s9+$0x1B190] =	vst v0  }
.Ltmp0:
0x1f: {  	[tilespmem:s9+$0x1B1A0] =	vst v0;
	(pc) =	sbr.rel @p1 .LBB2_2-.Ltmp0, $4  }
0x20: {  	[tilespmem:s9+$0x1B1B0] =	vst v0  }
0x21: {  	[tilespmem:s9+$0x1B1C0] =	vst v0  }
0x22: {  	[tilespmem:s9+$0x1B1D0] =	vst v0  }
0x23: {  	[tilespmem:s9+$0x1B1E0] =	vst v0;
	s9 =	sshra.s32 s15, $0x2;
	s15 =	sadd.s32 $0x200, s15  }
0x24: {  	[tilespmem:s9+$0x1B1F0] =	vst v0  }
0x25: {  	[tilespmem:s9+$0x1B180] =	vst v0  }
0x26: {  	[tilespmem:s9+$0x1B190] =	vst v0  }
0x27: {  	[tilespmem:s9+$0x1B1A0] =	vst v0  }
0x28: {  	[tilespmem:s9+$0x1B1B0] =	vst v0  }
0x29: {  	[tilespmem:s9+$0x1B1C0] =	vst v0  }
0x2a: {  	[tilespmem:s9+$0x1B1D0] =	vst v0  }
0x2b: {  	[dreg:$0x11] =	wrdreg s16;
	[tilespmem:s9+$0x1B1E0] =	vst v0  }
0x2c: {  	[spmem:s20] =	stream.linear.scatter [tilespmem:s26], [sflag:$0x2], $0x2800, $0x38;
	[tilespmem:$0x1D980] =	vst v63  }
0x2d: {  	_ =	swait.ge [sflag:s28], $0x2800  }
0x2e: {  	[sflag:s28] =	ssyncset.done $0x0  }
0x2f: {  	[sflag:s28] =	ssyncadd.s32 $0xFFFFD800  }
0x30: {  	[spmem:s21] =	stream.linear.scatter [tilespmem:s26], [sflag:$0x2], $0x2800, $0x38;
	[tilespmem:$0x1D980] =	vst v63  }
0x31: {  	_ =	swait.ge [sflag:s28], $0x2800  }
0x32: {  	[sflag:s28] =	ssyncset.done $0x0  }
0x33: {  	[sflag:s28] =	ssyncadd.s32 $0xFFFFD800  }
0x34: {  	[spmem:s22] =	stream.linear.scatter [tilespmem:s26], [sflag:$0x2], $0x2800, $0x38;
	[tilespmem:$0x1D980] =	vst v63  }
0x35: {  	_ =	swait.ge [sflag:s28], $0x2800  }
0x36: {  	[sflag:s28] =	ssyncset.done $0x0  }
0x37: {  	s16 =	rddreg [dreg:$0x6];
	[sflag:s28] =	ssyncadd.s32 $0xFFFFD800  }
0x38: {  	[spmem:s16] =	stream.linear.scatter [tilespmem:s26], [sflag:$0x2], $0x2800, $0x38;
	[tilespmem:$0x1D980] =	vst v63  }
0x39: {  	_ =	swait.ge [sflag:s28], $0x2800  }
0x3a: {  	[sflag:s28] =	ssyncset.done $0x0  }
0x3b: {  	s17 =	rddreg [dreg:$0x7];
	[sflag:s28] =	ssyncadd.s32 $0xFFFFD800  }
0x3c: {  	[spmem:s17] =	stream.linear.scatter [tilespmem:s26], [sflag:$0x2], $0x2800, $0x38;
	[tilespmem:$0x1D980] =	vst v63  }
0x3d: {  	_ =	swait.ge [sflag:s28], $0x2800  }
0x3e: {  	[sflag:s28] =	ssyncset.done $0x0  }
0x3f: {  	s19 =	rddreg [dreg:$0x8];
	[sflag:s28] =	ssyncadd.s32 $0xFFFFD800  }
0x40: {  	[spmem:s19] =	stream.linear.scatter [tilespmem:s26], [sflag:$0x2], $0x2800, $0x38;
	[tilespmem:$0x1D980] =	vst v63  }
0x41: {  	_ =	swait.ge [sflag:s28], $0x2800  }
0x42: {  	[sflag:s28] =	ssyncset.done $0x0  }
0x43: {  	s15 =	rddreg [dreg:$0x9];
	[sflag:s28] =	ssyncadd.s32 $0xFFFFD800  }
0x44: {  	[spmem:s15] =	stream.linear.scatter [tilespmem:s26], [sflag:$0x2], $0x2800, $0x38;
	[tilespmem:$0x1D980] =	vst v63  }
0x45: {  	_ =	swait.ge [sflag:s28], $0x2800  }
0x46: {  	[sflag:s28] =	ssyncset.done $0x0  }
0x47: {  	s16 =	rddreg [dreg:$0xa];
	[sflag:s28] =	ssyncadd.s32 $0xFFFFD800  }
0x48: {  	[spmem:s16] =	stream.linear.scatter [tilespmem:s26], [sflag:$0x2], $0x2000, $0x38;
	[tilespmem:$0x1D980] =	vst v63  }
0x49: {  	_ =	swait.ge [sflag:s28], $0x2000  }
0x4a: {  	[sflag:s28] =	ssyncset.done $0x0  }
0x4b: {  	s9 =	simm.s32 @!p0 $0x1B180;
	s15 =	rddreg [dreg:$0xb];
	[sflag:s28] =	ssyncadd.s32 $0xFFFFE000  }
0x4c: {  	[spmem:s15] =	stream.linear.scatter @!p0 [tilespmem:s9], [sflag:$0x2], $0x800, $0x38;
	[tilespmem:$0x1D980] =	vst v63  }
0x4d: {  	s9 =	simm.s32 @!p0 $0x2  }
0x4e: {  	_ =	swait.ge @!p0 [sflag:s9], $0x800  }
0x4f: {  	[sflag:s9] =	ssyncset.done @!p0 $0x0  }
0x50: {  	[sflag:s9] =	ssyncadd.s32 @!p0 $0xFFFFF800  }
0x51: {  	s17 =	sadd.s32 $0x0, s25;
	[bflag:$0x0] =	sbarrier.arrive $0xFFFF  }
0x52: {  	[tilespmem:s29], [sflag:$0x2] =	stream.linear.gather [hbm4b:s17+s2], $0x50, $0x38;
	[tilespmem:$0x1D980] =	vst v63  }
0x53: {  	_ =	swait.ge [sflag:s28], $0x50  }
0x54: {  	[sflag:s28] =	ssyncset.done $0x0  }
0x55: {  	s19 =	sadd.s32 $0x0, s24;
	[sflag:s28] =	ssyncadd.s32 $0xFFFFFFB0  }
0x56: {  	[tilespmem:s30], [sflag:$0x2] =	stream.linear.gather [hbm4b:s19+s2], $0x50, $0x38;
	[tilespmem:$0x1D980] =	vst v63  }
0x57: {  	_ =	swait.ge [sflag:s28], $0x50  }
0x58: {  	[sflag:s28] =	ssyncset.done $0x0  }
0x59: {  	[sflag:s28] =	ssyncadd.s32 $0xFFFFFFB0  }
0x5a: {  	[tilespmem:s0], [sflag:$0x1] =	stream.indirect.gather [hbm4b:s6+s31], $0x80, s29, s31, $0xb8;
	[tilespmem:$0x1D980] =	vst v63  }
0x5b: {  	_ =	swait.ge [sflag:s3], $0x2800  }
0x5c: {  	[sflag:s3] =	ssyncset.done $0x0  }
0x5d: {  	[sflag:s3] =	ssyncadd.s32 $0xFFFFD800  }
0x5e: {  	[spmem:s1] =	stream.indirect.scatter.add.f32 [tilespmem:s0], [sflag:$0x2], $0x80, s30, s31, $0xb8;
	[tilespmem:$0x1D980] =	vst v63  }
0x5f: {  	_ =	swait.ge [sflag:s28], $0x2800  }
0x60: {  	s15 =	simm.s32 $0x14;
	s9 =	simm.s32 $0xA;
	[sflag:s28] =	ssyncset.done $0x0  }
.LBB2_4:
0x61: {  	s16 =	sadd.s32 s9, s25  }
0x62: {  	[sflag:s28] =	ssyncadd.s32 $0xFFFFD800;
	s17 =	smov.u32 s15;
	s19 =	sadd.s32 $0xA, s15  }
0x63: {  	[tilespmem:s29], [sflag:$0x2] =	stream.linear.gather [hbm4b:s16+s2], $0x50, $0x38;
	[tilespmem:$0x1D980] =	vst v63  }
0x64: {  	p1 =	sne.s32 s15, $0x9BA;
	_ =	swait.ge [sflag:s28], $0x50  }
0x65: {  	[sflag:s28] =	ssyncset.done $0x0  }
0x66: {  	s15 =	sadd.s32 s9, s24;
	s9 =	smov.u32 s17;
	[sflag:s28] =	ssyncadd.s32 $0xFFFFFFB0  }
0x67: {  	[tilespmem:s30], [sflag:$0x2] =	stream.linear.gather [hbm4b:s15+s2], $0x50, $0x38;
	[tilespmem:$0x1D980] =	vst v63  }
0x68: {  	_ =	swait.ge [sflag:s28], $0x50  }
0x69: {  	[sflag:s28] =	ssyncset.done $0x0  }
0x6a: {  	[sflag:s28] =	ssyncadd.s32 $0xFFFFFFB0  }
0x6b: {  	[tilespmem:s0], [sflag:$0x1] =	stream.indirect.gather [hbm4b:s6+s31], $0x80, s29, s31, $0xb8;
	[tilespmem:$0x1D980] =	vst v63  }
0x6c: {  	_ =	swait.ge [sflag:s3], $0x2800  }
.Ltmp1:
0x6d: {  	[sflag:s3] =	ssyncset.done $0x0;
	(pc) =	sbr.rel @p1 .LBB2_4-.Ltmp1, $4  }
0x6e: {  	[sflag:s3] =	ssyncadd.s32 $0xFFFFD800  }
0x6f: {  	[spmem:s1] =	stream.indirect.scatter.add.f32 [tilespmem:s0], [sflag:$0x2], $0x80, s30, s31, $0xb8;
	[tilespmem:$0x1D980] =	vst v63  }
0x70: {  	_ =	swait.ge [sflag:s28], $0x2800  }
0x71: {  	s15 =	smov.u32 s19;
	[sflag:s28] =	ssyncset.done $0x0  }
0x72: {  	s15 =	sadd.s32 s9, s25;
	[sflag:s28] =	ssyncadd.s32 $0xFFFFD800  }
0x73: {  	[tilespmem:s29], [sflag:$0x2] =	stream.linear.gather [hbm4b:s15+s2], $0x50, $0x38;
	[tilespmem:$0x1D980] =	vst v63  }
0x74: {  	_ =	swait.ge [sflag:s28], $0x50  }
0x75: {  	[sflag:s28] =	ssyncset.done $0x0  }
0x76: {  	s16 =	sadd.s32 s9, s24;
	[sflag:s28] =	ssyncadd.s32 $0xFFFFFFB0  }
0x77: {  	[tilespmem:s30], [sflag:$0x2] =	stream.linear.gather [hbm4b:s16+s2], $0x50, $0x38;
	[tilespmem:$0x1D980] =	vst v63  }
0x78: {  	_ =	swait.ge [sflag:s28], $0x50  }
0x79: {  	[sflag:s28] =	ssyncset.done $0x0  }
0x7a: {  	[sflag:s28] =	ssyncadd.s32 $0xFFFFFFB0  }
0x7b: {  	[tilespmem:s0], [sflag:$0x1] =	stream.indirect.gather [hbm4b:s6+s31], $0x80, s29, s31, $0xb8;
	[tilespmem:$0x1D980] =	vst v63  }
0x7c: {  	_ =	swait.ge [sflag:s3], $0x2800  }
0x7d: {  	[sflag:s3] =	ssyncset.done $0x0  }
0x7e: {  	[sflag:s3] =	ssyncadd.s32 $0xFFFFD800  }
0x7f: {  	[spmem:s1] =	stream.indirect.scatter.add.f32 [tilespmem:s0], [sflag:$0x2], $0x80, s30, s31, $0xb8;
	[tilespmem:$0x1D980] =	vst v63  }
0x80: {  	_ =	swait.ge [sflag:s28], $0x2800  }
0x81: {  	[sflag:s28] =	ssyncset.done $0x0  }
0x82: {  	[sflag:s28] =	ssyncadd.s32 $0xFFFFD800  }
0x83: {  	s17 =	stileid.u32;
	[bflag:$0x0] =	sbarrier.arrive $0xFFFF  }
0x84: {  	s9 =	sshll.u32 s17, $0x6;
	s16 =	sshrl.u32 s20, $0x3;
	s19 =	rddreg [dreg:$0xc]  }
0x85: {  	s15 =	sor.u32 $0x1C02, s9;
	[dreg:$0x13] =	wrdreg s16  }
0x86: {  	[hbm:s19], [sflag:s15] =	dma.local [spmem:s16], $0x2700  }
0x87: {  	_ =	swait.ge [sflag:s28], $0x2700;
	[dreg:$0x12] =	wrdreg s15  }
0x88: {  	s16 =	rddreg [dreg:$0xb]  }
0x89: {  	[sflag:s28] =	ssyncset.done $0x0;
	s9 =	rddreg [dreg:$0xd];
	s17 =	sshrl.u32 @!p0 s16, $0x3  }
0x8a: {  	[sflag:s28] =	ssyncadd.s32 $0xFFFFD900;
	[dreg:$0x14] =	wrdreg s17  }
0x8b: {  	[hbm:s9], [sflag:s15] =	dma.local @!p0 [spmem:s17], $0x100  }
0x8c: {  	s9 =	simm.s32 @!p0 $0x2  }
0x8d: {  	_ =	swait.ge @!p0 [sflag:s9], $0x100  }
0x8e: {  	[sflag:s9] =	ssyncset.done @!p0 $0x0  }
0x8f: {  	[sflag:s9] =	ssyncadd.s32 @!p0 $0xFFFFFF00  }
0x90: {  	[spmem:s20] =	stream.linear.scatter [tilespmem:s26], [sflag:$0x2], $0x2800, $0x38;
	[tilespmem:$0x1D980] =	vst v63  }
0x91: {  	_ =	swait.ge [sflag:s28], $0x2800  }
0x92: {  	[sflag:s28] =	ssyncset.done $0x0  }
0x93: {  	[sflag:s28] =	ssyncadd.s32 $0xFFFFD800  }
0x94: {  	[spmem:s21] =	stream.linear.scatter [tilespmem:s26], [sflag:$0x2], $0x2800, $0x38;
	[tilespmem:$0x1D980] =	vst v63  }
0x95: {  	_ =	swait.ge [sflag:s28], $0x2800  }
0x96: {  	[sflag:s28] =	ssyncset.done $0x0  }
0x97: {  	[sflag:s28] =	ssyncadd.s32 $0xFFFFD800  }
0x98: {  	[spmem:s22] =	stream.linear.scatter [tilespmem:s26], [sflag:$0x2], $0x2800, $0x38;
	[tilespmem:$0x1D980] =	vst v63  }
0x99: {  	_ =	swait.ge [sflag:s28], $0x2800  }
0x9a: {  	[sflag:s28] =	ssyncset.done $0x0  }
0x9b: {  	s17 =	rddreg [dreg:$0x6];
	[sflag:s28] =	ssyncadd.s32 $0xFFFFD800  }
0x9c: {  	[spmem:s17] =	stream.linear.scatter [tilespmem:s26], [sflag:$0x2], $0x2800, $0x38;
	[tilespmem:$0x1D980] =	vst v63  }
0x9d: {  	_ =	swait.ge [sflag:s28], $0x2800  }
0x9e: {  	[sflag:s28] =	ssyncset.done $0x0  }
0x9f: {  	s19 =	rddreg [dreg:$0x7];
	[sflag:s28] =	ssyncadd.s32 $0xFFFFD800  }
0xa0: {  	[spmem:s19] =	stream.linear.scatter [tilespmem:s26], [sflag:$0x2], $0x2800, $0x38;
	[tilespmem:$0x1D980] =	vst v63  }
0xa1: {  	_ =	swait.ge [sflag:s28], $0x2800  }
0xa2: {  	[sflag:s28] =	ssyncset.done $0x0  }
0xa3: {  	s20 =	rddreg [dreg:$0x8];
	[sflag:s28] =	ssyncadd.s32 $0xFFFFD800  }
0xa4: {  	[spmem:s20] =	stream.linear.scatter [tilespmem:s26], [sflag:$0x2], $0x2800, $0x38;
	[tilespmem:$0x1D980] =	vst v63  }
0xa5: {  	_ =	swait.ge [sflag:s28], $0x2800  }
0xa6: {  	[sflag:s28] =	ssyncset.done $0x0  }
0xa7: {  	s21 =	rddreg [dreg:$0x9];
	[sflag:s28] =	ssyncadd.s32 $0xFFFFD800  }
0xa8: {  	[spmem:s21] =	stream.linear.scatter [tilespmem:s26], [sflag:$0x2], $0x2800, $0x38;
	[tilespmem:$0x1D980] =	vst v63  }
0xa9: {  	_ =	swait.ge [sflag:s28], $0x2800  }
0xaa: {  	[sflag:s28] =	ssyncset.done $0x0  }
0xab: {  	s22 =	rddreg [dreg:$0xa];
	[sflag:s28] =	ssyncadd.s32 $0xFFFFD800  }
0xac: {  	[spmem:s22] =	stream.linear.scatter [tilespmem:s26], [sflag:$0x2], $0x2000, $0x38;
	[tilespmem:$0x1D980] =	vst v63  }
0xad: {  	_ =	swait.ge [sflag:s28], $0x2000  }
0xae: {  	[sflag:s28] =	ssyncset.done $0x0  }
0xaf: {  	s15 =	simm.s32 @!p0 $0x1B180;
	[sflag:s28] =	ssyncadd.s32 $0xFFFFE000  }
0xb0: {  	[spmem:s16] =	stream.linear.scatter @!p0 [tilespmem:s15], [sflag:$0x2], $0x800, $0x38;
	[tilespmem:$0x1D980] =	vst v63  }
0xb1: {  	_ =	swait.ge @!p0 [sflag:s9], $0x800  }
0xb2: {  	[sflag:s9] =	ssyncset.done @!p0 $0x0  }
0xb3: {  	[sflag:s9] =	ssyncadd.s32 @!p0 $0xFFFFF800  }
0xb4: {  	s17 =	simm.s32 $0x0;
	s9 =	simm.s32 $0x0;
	[bflag:$0x0] =	sbarrier.arrive $0xFFFF  }
.LBB2_6:
0xb5: {  	s15 =	smul.u32 $0x50, s9;
	_ =	sdelay $0x1  }
0xb6: {  	s15 =	sadd.s32 s15, s18  }
0xb7: {  	s15 =	sshrl.u32 s15, $0x3  }
0xb8: {  	s16 =	sadd.s32 s4, s15  }
0xb9: {  	[tilespmem:s29], [sflag:$0x2] =	stream.linear.gather [hbm4b:s16+s17], $0x50, $0x38;
	[tilespmem:$0x1D980] =	vst v63  }
0xba: {  	_ =	swait.ge [sflag:s28], $0x50  }
0xbb: {  	[sflag:s28] =	ssyncset.done $0x0  }
0xbc: {  	s15 =	sadd.s32 s5, s15;
	[sflag:s28] =	ssyncadd.s32 $0xFFFFFFB0  }
0xbd: {  	[tilespmem:s30], [sflag:$0x2] =	stream.linear.gather [hbm4b:s15+s17], $0x50, $0x38;
	[tilespmem:$0x1D980] =	vst v63  }
0xbe: {  	_ =	swait.ge [sflag:s28], $0x50  }
0xbf: {  	[sflag:s28] =	ssyncset.done $0x0  }
0xc0: {  	[sflag:s28] =	ssyncadd.s32 $0xFFFFFFB0  }
0xc1: {  	v4 =	vld [tilespmem:$0x13880];
	_ =	sdelay $0x4  }
0xc2: {  	v5 =	vshll.u32 v4, $0x1  }
0xc3: {  	v4 =	vand.u32 $0x7, v4;
	v5 =	vand.u32 $0xFFFFFFF0, v5  }
0xc4: {  	v4 =	vor.u32 v4, v5  }
0xc5: {  	v5 =	vperm.xlane v4, v1;
	_ =	sdelay $0x1  }
0xc6: {  	v4 =	vperm.xlane v4, v3;
	v5 =	vadd.s32 v2, v5;
	_ =	sdelay $0x1  }
0xc7: {  	v4 =	vadd.s32 v2, v4;
	_ =	sdelay $0x1  }
0xc8: {  	s19 =	simm.s32 $0x13980  }
0xc9: {  	[tilespmem:s19], [sflag:$0x1] =	stream.indirect_vreg.gather [hbm4b:s7+s17], $0x80, v5, vm0, $0xb8;
	[tilespmem:$0x1D980] =	vst v63  }
0xca: {  	s20 =	simm.s32 $0x14180  }
0xcb: {  	[tilespmem:s20], [sflag:$0x1] =	stream.indirect_vreg.gather [hbm4b:s7+s17], $0x80, v4, vm0, $0xb8;
	[tilespmem:$0x1D980] =	vst v63  }
0xcc: {  	v4 =	vld [tilespmem:$0x13890];
	_ =	sdelay $0x4  }
0xcd: {  	v5 =	vshll.u32 v4, $0x1  }
0xce: {  	v4 =	vand.u32 $0x7, v4;
	v5 =	vand.u32 $0xFFFFFFF0, v5  }
0xcf: {  	v4 =	vor.u32 v4, v5  }
0xd0: {  	v5 =	vperm.xlane v4, v1;
	_ =	sdelay $0x1  }
0xd1: {  	v4 =	vperm.xlane v4, v3;
	v5 =	vadd.s32 v2, v5;
	_ =	sdelay $0x1  }
0xd2: {  	v4 =	vadd.s32 v2, v4;
	_ =	sdelay $0x1  }
0xd3: {  	s21 =	simm.s32 $0x14980  }
0xd4: {  	[tilespmem:s21], [sflag:$0x1] =	stream.indirect_vreg.gather [hbm4b:s7+s17], $0x80, v5, vm0, $0xb8;
	[tilespmem:$0x1D980] =	vst v63  }
0xd5: {  	s22 =	simm.s32 $0x15180  }
0xd6: {  	[tilespmem:s22], [sflag:$0x1] =	stream.indirect_vreg.gather [hbm4b:s7+s17], $0x80, v4, vm0, $0xb8;
	[tilespmem:$0x1D980] =	vst v63  }
0xd7: {  	v4 =	vld [tilespmem:$0x138A0];
	_ =	sdelay $0x4  }
0xd8: {  	v5 =	vshll.u32 v4, $0x1  }
0xd9: {  	v4 =	vand.u32 $0x7, v4;
	v5 =	vand.u32 $0xFFFFFFF0, v5  }
0xda: {  	v4 =	vor.u32 v4, v5  }
0xdb: {  	v5 =	vperm.xlane v4, v1;
	_ =	sdelay $0x1  }
0xdc: {  	v4 =	vperm.xlane v4, v3;
	v5 =	vadd.s32 v2, v5;
	_ =	sdelay $0x1  }
0xdd: {  	v4 =	vadd.s32 v2, v4;
	_ =	sdelay $0x2  }
0xde: {  	[tilespmem:s23], [sflag:$0x1] =	stream.indirect_vreg.gather [hbm4b:s7+s17], $0x80, v5, vm0, $0xb8;
	[tilespmem:$0x1D980] =	vst v63  }
0xdf: {  	_ = 	snop  }
0xe0: {  	[tilespmem:s10], [sflag:$0x1] =	stream.indirect_vreg.gather [hbm4b:s7+s17], $0x80, v4, vm0, $0xb8;
	[tilespmem:$0x1D980] =	vst v63  }
0xe1: {  	v4 =	vld [tilespmem:$0x138B0];
	_ =	sdelay $0x4  }
0xe2: {  	v5 =	vshll.u32 v4, $0x1  }
0xe3: {  	v4 =	vand.u32 $0x7, v4;
	v5 =	vand.u32 $0xFFFFFFF0, v5  }
0xe4: {  	v4 =	vor.u32 v4, v5  }
0xe5: {  	v5 =	vperm.xlane v4, v1;
	_ =	sdelay $0x1  }
0xe6: {  	v4 =	vperm.xlane v4, v3;
	v5 =	vadd.s32 v2, v5;
	_ =	sdelay $0x1  }
0xe7: {  	v4 =	vadd.s32 v2, v4;
	_ =	sdelay $0x2  }
0xe8: {  	[tilespmem:s11], [sflag:$0x1] =	stream.indirect_vreg.gather [hbm4b:s7+s17], $0x80, v5, vm0, $0xb8;
	[tilespmem:$0x1D980] =	vst v63  }
0xe9: {  	_ = 	snop  }
0xea: {  	[tilespmem:s12], [sflag:$0x1] =	stream.indirect_vreg.gather [hbm4b:s7+s17], $0x80, v4, vm0, $0xb8;
	[tilespmem:$0x1D980] =	vst v63  }
0xeb: {  	v4 =	vld [tilespmem:$0x138C0];
	_ =	sdelay $0x4  }
0xec: {  	v5 =	vshll.u32 v4, $0x1  }
0xed: {  	v4 =	vand.u32 $0x7, v4;
	v5 =	vand.u32 $0xFFFFFFF0, v5  }
0xee: {  	v4 =	vor.u32 v4, v5  }
0xef: {  	v5 =	vperm.xlane v4, v1;
	_ =	sdelay $0x1  }
0xf0: {  	v4 =	vperm.xlane v4, v3;
	v5 =	vadd.s32 v2, v5;
	_ =	sdelay $0x1  }
0xf1: {  	v4 =	vadd.s32 v2, v4;
	_ =	sdelay $0x2  }
0xf2: {  	[tilespmem:s13], [sflag:$0x1] =	stream.indirect_vreg.gather [hbm4b:s7+s17], $0x80, v5, vm0, $0xb8;
	[tilespmem:$0x1D980] =	vst v63  }
0xf3: {  	_ = 	snop  }
0xf4: {  	[tilespmem:s14], [sflag:$0x1] =	stream.indirect_vreg.gather [hbm4b:s7+s17], $0x80, v4, vm0, $0xb8;
	[tilespmem:$0x1D980] =	vst v63  }
0xf5: {  	_ =	swait.ge [sflag:s3], $0x5000  }
0xf6: {  	[sflag:s3] =	ssyncset.done $0x0  }
0xf7: {  	[sflag:s3] =	ssyncadd.s32 $0xFFFFB000  }
0xf8: {  	[tilespmem:s0], [sflag:$0x1] =	stream.indirect.gather [hbm4b:s8+s31], $0x80, s30, s31, $0xb8;
	[tilespmem:$0x1D980] =	vst v63  }
0xf9: {  	_ =	swait.ge [sflag:s3], $0x2800  }
0xfa: {  	s16 =	simm.s32 $0x189C0;
	s15 =	simm.s32 $0x1B1C0;
	[sflag:s3] =	ssyncset.done $0x0  }
0xfb: {  	s19 =	simm.s32 $0x0;
	s20 =	simm.s32 $0x0;
	[sflag:s3] =	ssyncadd.s32 $0xFFFFD800  }
.LBB2_7:
0xfc: {  	s21 =	sand.u32 $0x7800, s20;
	s22 =	sand.u32 $0x380, s19  }
0xfd: {  	s22 =	sor.u32 s22, s21  }
0xfe: {  	v5 =	vld [tilespmem:s16+$0xFFFFFFC0];
	s21 =	sadd.s32 $0x13980, s22  }
0xff: {  	v4 =	vld [tilespmem:s21+$0x400];
	_ =	sdelay $0x4  }
0x100: {  	v4 =	vsub.f32 v5, v4;
	_ =	sdelay $0x1  }
0x101: {  	v4 =	vmul.f32 $1.442695020e+00, v4;
	_ =	sdelay $0x1  }
0x102: {  	(erf) = vpow2.f32 v4;
	_ =	sdelay $0x8  }
0x103: {  	v4 =	vpop (erf)  }
0x104: {  	v4 =	vadd.f32 $1.000000000e+00, v4;
	_ =	sdelay $0x1  }
0x105: {  	(erf) = vrcp.f32 v4;
	_ =	sdelay $0x4  }
0x106: {  	v4 =	vld [tilespmem:s22+$0x13980];
	_ =	sdelay $0x3  }
0x107: {  	v5 =	vpop (erf)  }
0x108: {  	v4 =	vmul.f32 v5, v4;
	_ =	sdelay $0x1  }
0x109: {  	[tilespmem:s15+$0xFFFFFFC0] =	vst v4  }
0x10a: {  	v4 =	vld [tilespmem:s21+$0x410]  }
0x10b: {  	v5 =	vld [tilespmem:s16+$0xFFFFFFD0];
	_ =	sdelay $0x4  }
0x10c: {  	v4 =	vsub.f32 v5, v4;
	_ =	sdelay $0x1  }
0x10d: {  	v4 =	vmul.f32 $1.442695020e+00, v4;
	_ =	sdelay $0x1  }
0x10e: {  	(erf) = vpow2.f32 v4;
	_ =	sdelay $0x8  }
0x10f: {  	v4 =	vpop (erf)  }
0x110: {  	v4 =	vadd.f32 $1.000000000e+00, v4;
	_ =	sdelay $0x1  }
0x111: {  	(erf) = vrcp.f32 v4;
	_ =	sdelay $0x4  }
0x112: {  	v4 =	vld [tilespmem:s21+$0x10];
	_ =	sdelay $0x3  }
0x113: {  	v5 =	vpop (erf)  }
0x114: {  	v4 =	vmul.f32 v5, v4;
	_ =	sdelay $0x1  }
0x115: {  	[tilespmem:s15+$0xFFFFFFD0] =	vst v4  }
0x116: {  	v4 =	vld [tilespmem:s21+$0x420]  }
0x117: {  	v5 =	vld [tilespmem:s16+$0xFFFFFFE0];
	_ =	sdelay $0x4  }
0x118: {  	v4 =	vsub.f32 v5, v4;
	_ =	sdelay $0x1  }
0x119: {  	v4 =	vmul.f32 $1.442695020e+00, v4;
	_ =	sdelay $0x1  }
0x11a: {  	(erf) = vpow2.f32 v4;
	_ =	sdelay $0x8  }
0x11b: {  	v4 =	vpop (erf)  }
0x11c: {  	v4 =	vadd.f32 $1.000000000e+00, v4;
	_ =	sdelay $0x1  }
0x11d: {  	(erf) = vrcp.f32 v4;
	_ =	sdelay $0x4  }
0x11e: {  	v4 =	vld [tilespmem:s21+$0x20];
	_ =	sdelay $0x3  }
0x11f: {  	v5 =	vpop (erf)  }
0x120: {  	v4 =	vmul.f32 v5, v4;
	_ =	sdelay $0x1  }
0x121: {  	[tilespmem:s15+$0xFFFFFFE0] =	vst v4  }
0x122: {  	v4 =	vld [tilespmem:s21+$0x430]  }
0x123: {  	v5 =	vld [tilespmem:s16+$0xFFFFFFF0];
	_ =	sdelay $0x4  }
0x124: {  	v4 =	vsub.f32 v5, v4;
	_ =	sdelay $0x1  }
0x125: {  	v4 =	vmul.f32 $1.442695020e+00, v4;
	_ =	sdelay $0x1  }
0x126: {  	(erf) = vpow2.f32 v4;
	_ =	sdelay $0x8  }
0x127: {  	v4 =	vpop (erf)  }
0x128: {  	v4 =	vadd.f32 $1.000000000e+00, v4;
	_ =	sdelay $0x1  }
0x129: {  	(erf) = vrcp.f32 v4;
	_ =	sdelay $0x4  }
0x12a: {  	v4 =	vld [tilespmem:s21+$0x30];
	_ =	sdelay $0x3  }
0x12b: {  	v5 =	vpop (erf)  }
0x12c: {  	v4 =	vmul.f32 v5, v4;
	_ =	sdelay $0x1  }
0x12d: {  	[tilespmem:s15+$0xFFFFFFF0] =	vst v4  }
0x12e: {  	v4 =	vld [tilespmem:s21+$0x440]  }
0x12f: {  	v5 =	vld [tilespmem:s16+$0x0];
	_ =	sdelay $0x4  }
0x130: {  	v4 =	vsub.f32 v5, v4;
	_ =	sdelay $0x1  }
0x131: {  	v4 =	vmul.f32 $1.442695020e+00, v4;
	_ =	sdelay $0x1  }
0x132: {  	(erf) = vpow2.f32 v4;
	_ =	sdelay $0x8  }
0x133: {  	v4 =	vpop (erf)  }
0x134: {  	v4 =	vadd.f32 $1.000000000e+00, v4;
	_ =	sdelay $0x1  }
0x135: {  	(erf) = vrcp.f32 v4;
	_ =	sdelay $0x4  }
0x136: {  	v4 =	vld [tilespmem:s21+$0x40];
	_ =	sdelay $0x3  }
0x137: {  	v5 =	vpop (erf)  }
0x138: {  	v4 =	vmul.f32 v5, v4;
	_ =	sdelay $0x1  }
0x139: {  	[tilespmem:s15+$0x0] =	vst v4  }
0x13a: {  	v4 =	vld [tilespmem:s21+$0x450]  }
0x13b: {  	v5 =	vld [tilespmem:s16+$0x10];
	_ =	sdelay $0x4  }
0x13c: {  	v4 =	vsub.f32 v5, v4;
	_ =	sdelay $0x1  }
0x13d: {  	v4 =	vmul.f32 $1.442695020e+00, v4;
	_ =	sdelay $0x1  }
0x13e: {  	(erf) = vpow2.f32 v4;
	_ =	sdelay $0x8  }
0x13f: {  	v4 =	vpop (erf)  }
0x140: {  	v4 =	vadd.f32 $1.000000000e+00, v4;
	_ =	sdelay $0x1  }
0x141: {  	(erf) = vrcp.f32 v4;
	_ =	sdelay $0x4  }
0x142: {  	v4 =	vld [tilespmem:s21+$0x50];
	_ =	sdelay $0x3  }
0x143: {  	v5 =	vpop (erf)  }
0x144: {  	v4 =	vmul.f32 v5, v4;
	_ =	sdelay $0x1  }
0x145: {  	[tilespmem:s15+$0x10] =	vst v4  }
0x146: {  	v4 =	vld [tilespmem:s21+$0x460]  }
0x147: {  	v5 =	vld [tilespmem:s16+$0x20];
	_ =	sdelay $0x4  }
0x148: {  	v4 =	vsub.f32 v5, v4;
	_ =	sdelay $0x1  }
0x149: {  	v4 =	vmul.f32 $1.442695020e+00, v4;
	_ =	sdelay $0x1  }
0x14a: {  	(erf) = vpow2.f32 v4;
	_ =	sdelay $0x8  }
0x14b: {  	v4 =	vpop (erf)  }
0x14c: {  	v4 =	vadd.f32 $1.000000000e+00, v4;
	_ =	sdelay $0x1  }
0x14d: {  	(erf) = vrcp.f32 v4;
	_ =	sdelay $0x4  }
0x14e: {  	v4 =	vld [tilespmem:s21+$0x60];
	_ =	sdelay $0x3  }
0x14f: {  	v5 =	vpop (erf)  }
0x150: {  	v4 =	vmul.f32 v5, v4;
	_ =	sdelay $0x1  }
0x151: {  	[tilespmem:s15+$0x20] =	vst v4  }
0x152: {  	v4 =	vld [tilespmem:s21+$0x470]  }
0x153: {  	v5 =	vld [tilespmem:s16+$0x30];
	_ =	sdelay $0x4  }
0x154: {  	v4 =	vsub.f32 v5, v4;
	_ =	sdelay $0x1  }
0x155: {  	v4 =	vmul.f32 $1.442695020e+00, v4;
	_ =	sdelay $0x1  }
0x156: {  	(erf) = vpow2.f32 v4;
	_ =	sdelay $0x8  }
0x157: {  	v4 =	vpop (erf)  }
0x158: {  	v4 =	vadd.f32 $1.000000000e+00, v4;
	_ =	sdelay $0x1  }
0x159: {  	(erf) = vrcp.f32 v4;
	_ =	sdelay $0x4  }
0x15a: {  	v4 =	vld [tilespmem:s21+$0x70];
	_ =	sdelay $0x1  }
0x15b: {  	p1 =	sne.s32 s20, $0x4F00  }
.Ltmp2:
0x15c: {  	_ = 	snop;
	(pc) =	sbr.rel @p1 .LBB2_7-.Ltmp2, $4  }
0x15d: {  	v5 =	vpop (erf)  }
0x15e: {  	v4 =	vmul.f32 v5, v4  }
0x15f: {  	s19 =	sadd.s32 $0x80, s19  }
0x160: {  	s20 =	sadd.s32 $0x100, s20;
	s16 =	sadd.s32 $0x80, s16;
	[tilespmem:s15+$0x30] =	vst v4;
	s15 =	sadd.s32 $0x80, s15  }
0x161: {  	s9 =	sadd.s32 $0x1, s9  }
0x162: {  	p1 =	sne.s32 s9, $0xFA  }
.Ltmp3:
0x163: {  	_ = 	snop;
	(pc) =	sbr.rel @p1 .LBB2_6-.Ltmp3, $4  }
0x164: {  	[spmem:s1] =	stream.indirect.scatter.add.f32 [tilespmem:s26], [sflag:$0x2], $0x80, s30, s31, $0xb8;
	[tilespmem:$0x1D980] =	vst v63  }
0x165: {  	_ =	swait.ge [sflag:s28], $0x2800  }
0x166: {  	[sflag:s28] =	ssyncset.done $0x0  }
0x167: {  	[sflag:s28] =	ssyncadd.s32 $0xFFFFD800  }
0x168: {  	[bflag:$0x0] =	sbarrier.arrive $0xFFFF  }
0x169: {  	s9 =	rddreg [dreg:$0xe]  }
0x16a: {  	s15 =	rddreg [dreg:$0x12]  }
0x16b: {  	s16 =	rddreg [dreg:$0x13]  }
0x16c: {  	[hbm:s9], [sflag:s15] =	dma.local [spmem:s16], $0x2700  }
0x16d: {  	_ =	swait.ge [sflag:s28], $0x2700  }
0x16e: {  	[sflag:s28] =	ssyncset.done $0x0;
	s9 =	rddreg [dreg:$0xf]  }
0x16f: {  	s16 =	rddreg [dreg:$0x14];
	[sflag:s28] =	ssyncadd.s32 $0xFFFFD900  }
0x170: {  	[hbm:s9], [sflag:s15] =	dma.local @!p0 [spmem:s16], $0x100  }
0x171: {  	s9 =	simm.s32 @!p0 $0x2  }
0x172: {  	_ =	swait.ge @!p0 [sflag:s9], $0x100  }
0x173: {  	s21 =	rddreg [dreg:$0x11]  }
0x174: {  	s22 =	rddreg [dreg:$0x10];
	s16 =	sadd.s32 $0x1, s21  }
0x175: {  	p1 =	sne.s32 s16, s22  }
.Ltmp4:
0x176: {  	_ = 	snop;
	(pc) =	sbr.rel @p1 .LBB2_1-.Ltmp4, $4  }
0x177: {  	_ = 	snop  }
0x178: {  	s20 =	rddreg [dreg:$0x3]  }
0x179: {  	[sflag:s9] =	ssyncset.done @!p0 $0x0;
	s21 =	rddreg [dreg:$0x4]  }
0x17a: {  	[sflag:s9] =	ssyncadd.s32 @!p0 $0xFFFFFF00;
	s22 =	rddreg [dreg:$0x5]  }
0x17b: {  	_ =	sfence.sel $0x180000  }
0x17c: {  	[bflag:$0x0] =	sbarrier.arrive $0xFFFF  }
0x17d: {  	_ =	strace $0x90000047  }
0x17e: {  	s0 =	stileid.u32;
	[bflag:$0x2] =	sbarrier.arrive $0xFFFF  }
0x17f: {  	p0 =	sne.s32 s0, $0x0;
	s0 =	rddreg [dreg:$0x2]  }
0x180: {  	s0 =	sadd.s32 @!p0 $0x100000, s0  }
0x181: {  	[sflag:s0] =	ssyncadd.tile.s32 @!p0 $0x1;
	_ =	shalt  }
.Lfunc_end2:
_tile_overlayer_lowered:
.L_overlay_start_2:
0x182: {  	(tag) =	ssettag $0x2  }
0x183: {  	s0 =	rddreg [dreg:$0x0];
	s2 =	stileid.u32  }
0x184: {  	s1 =	rddreg [dreg:$0x1];
	p0 =	sne.s32 s2, $0x0  }
0x185: {  	s3 =	rddreg [dreg:$0x2];
	[bflag:$0x3] =	sbarrier.arrive $0xFFFF;
	s2 =	simm.s32 @!p0 $0x1C02  }
0x186: {  	[timem:s3], [sflag:s2] =	dma.local @!p0 [hbm:s0], s1  }
0x187: {  	s0 =	simm.s32 @!p0 $0x2  }
0x188: {  	_ =	swait.ge @!p0 [sflag:s0], s1  }
0x189: {  	s1 =	ssub.s32 @!p0 $0x0, s1;
	[sflag:s0] =	ssyncset.done @!p0 $0x0  }
0x18a: {  	[sflag:s0] =	ssyncadd.s32 @!p0 s1  }
0x18b: {  	[bflag:$0x3] =	sbarrier.arrive $0xFFFF  }
0x18c: {  	_ =	shalt  }

</sc_bundles>
